<compile_context>
chip_gen: v7x
topology: tpu7x:2x2x1
jax: 0.10.2.dev20260603
libtpu: 0.0.44.dev20260713+nightly
codegen_flags: <defaults>
</compile_context>

<pallas_src>
import jax
import jax.numpy as jnp
from jax.experimental import pallas as pl
from jax.experimental.pallas import tpu as pltpu

NPRI = 16800
THRESH = 0.35
NEGPOS = 7
F32 = jnp.float32
BF16 = jnp.bfloat16


def _smooth_l1(d):
    ad = jnp.abs(d)
    return jnp.where(ad < 1.0, 0.5 * d * d, ad - 0.5)


def _match_kernel(pc_ref, off_ref, rsc_ref, targets_ref, loc_ref, landm_ref,
                  conf_ref, key_o, conft_o, clazz_o, part_o):
    i = pl.program_id(0)
    tg = targets_ref[0]
    T = tg.shape[0]
    px0 = pc_ref[0:1, :]
    py0 = pc_ref[1:2, :]
    px1 = pc_ref[2:3, :]
    py1 = pc_ref[3:4, :]
    area_p = pc_ref[4:5, :]
    pcx = pc_ref[5:6, :]
    pcy = pc_ref[6:7, :]
    rpw10 = pc_ref[7:8, :]
    rph10 = pc_ref[8:9, :]
    rpw = pc_ref[9:10, :]
    rph = pc_ref[10:11, :]

    tx0 = tg[:, 0:1]
    ty0 = tg[:, 1:2]
    tx1 = tg[:, 2:3]
    ty1 = tg[:, 3:4]
    iw = jnp.maximum(jnp.minimum(px1, tx1) - jnp.maximum(px0, tx0), 0.0)
    ih = jnp.maximum(jnp.minimum(py1, ty1) - jnp.maximum(py0, ty0), 0.0)
    inter = iw * ih
    area_t = (tx1 - tx0) * (ty1 - ty0)
    ov = inter / (area_t + area_p - inter)

    ti = jax.lax.broadcasted_iota(jnp.int32, (T, 1), 0)
    pid = jax.lax.broadcasted_iota(jnp.int32, (1, NPRI), 1)

    bto = jnp.max(ov, axis=0, keepdims=True)
    bti = jnp.min(jnp.where(ov == bto, ti, T), axis=0, keepdims=True)
    bpo = jnp.max(ov, axis=1, keepdims=True)
    bp = jnp.min(jnp.where(ov == bpo, pid, NPRI), axis=1, keepdims=True)

    ovr = jnp.max(jnp.where(pid == bp, ti, -1), axis=0, keepdims=True)
    has = ovr >= 0
    bti2 = jnp.where(has, ovr, bti)
    bto2 = jnp.where(has, 2.0, bto)

    conf_t = jnp.where(bto2 < THRESH, 0.0, 1.0)
    pos = conf_t > 0.0

    onehot = (ti == bti2).astype(BF16)
    tg_hi = tg.astype(BF16)
    tg_lo = (tg - tg_hi.astype(F32)).astype(BF16)
    dn = (((0,), (0,)), ((), ()))
    matches = (
        jax.lax.dot_general(tg_hi, onehot, dn, preferred_element_type=F32)
        + jax.lax.dot_general(tg_lo, onehot, dn, preferred_element_type=F32))

    clazz = jnp.where(bto2 < THRESH, 0.0, matches[40:41, :])

    mx0 = matches[0:1]
    my0 = matches[1:2]
    mx1 = matches[2:3]
    my1 = matches[3:4]
    g_cx = ((mx0 + mx1) * 0.5 - pcx) * rpw10
    g_cy = ((my0 + my1) * 0.5 - pcy) * rph10
    g_w = jnp.log((mx1 - mx0) * rpw) * 5.0
    g_h = jnp.log((my1 - my0) * rph) * 5.0
    loc_t = jnp.concatenate([g_cx, g_cy, g_w, g_h], axis=0)
    sl_loc = _smooth_l1(loc_ref[0].astype(F32) - loc_t)
    loss_l_i = jnp.sum(jnp.where(pos, sl_loc, 0.0))

    m36 = matches[4:40]
    lm_t = (m36 - off_ref[...]) * rsc_ref[...]
    sl_lm = _smooth_l1(landm_ref[0].astype(F32) - lm_t)
    loss_lm_i = jnp.sum(jnp.where(pos, sl_lm, 0.0))

    lc = jnp.where(pos, 0.0, conf_ref[pl.ds(i, 1), :] - conf_t)
    bbits = jax.lax.bitcast_convert_type(lc, jnp.int32)
    key = jnp.where(bbits < 0, bbits ^ jnp.int32(0x7FFFFFFF), bbits)

    key_o[pl.ds(i, 1), :] = key
    conft_o[pl.ds(i, 1), :] = conf_t
    clazz_o[pl.ds(i, 1), :] = clazz
    lane = jax.lax.broadcasted_iota(jnp.int32, (1, 128), 1)
    part_o[pl.ds(i, 1), :] = jnp.where(lane == 0, loss_l_i,
                                       jnp.where(lane == 1, loss_lm_i, 0.0))


def _mine_kernel(key_ref, conft_ref, clazz_ref, conf_ref, class_ref, part_ref,
                 out_ref):
    K = key_ref[...]
    CT = conft_ref[...]
    CZ = clazz_ref[...]
    CD = conf_ref[...]
    N = K.shape[0]
    np_f = jnp.sum(CT, axis=1, keepdims=True)
    kk = jnp.minimum(NEGPOS * np_f.astype(jnp.int32), NPRI - 1)
    kkf = kk.astype(F32)

    h = jnp.right_shift(K, 16)
    lw = jnp.bitwise_and(K, jnp.int32(0xFFFF))

    def hbody(_, c):
        lo, hi = c
        mid = jnp.right_shift(lo + hi, 1)
        cnt = jnp.sum((h >= mid).astype(F32), axis=1, keepdims=True)
        good = cnt >= kkf
        return (jnp.where(good, mid, lo), jnp.where(good, hi, mid))

    lo0 = jnp.full((N, 1), -32768, jnp.int32)
    hi0 = jnp.full((N, 1), 32768, jnp.int32)
    hstar, _ = jax.lax.fori_loop(0, 16, hbody, (lo0, hi0))

    hgt = h > hstar
    heq = h == hstar
    cgt_h = jnp.sum(hgt.astype(F32), axis=1, keepdims=True)
    k2f = kkf - cgt_h
    lmsk = jnp.where(heq, lw, -1)

    def lbody(_, c):
        lo, hi = c
        mid = jnp.right_shift(lo + hi, 1)
        cnt = jnp.sum((lmsk >= mid).astype(F32), axis=1, keepdims=True)
        good = cnt >= k2f
        return (jnp.where(good, mid, lo), jnp.where(good, hi, mid))

    lo1 = jnp.zeros((N, 1), jnp.int32)
    hi1 = jnp.full((N, 1), 65536, jnp.int32)
    lstar, _ = jax.lax.fori_loop(0, 16, lbody, (lo1, hi1))

    gt = hgt | (heq & (lw > lstar))
    eq = heq & (lw == lstar)
    rrf = kkf - jnp.sum(gt.astype(F32), axis=1, keepdims=True)

    pid2 = jax.lax.broadcasted_iota(jnp.int32, (1, NPRI), 1)

    def tbody(_, c):
        lo, hi = c
        mid = jnp.right_shift(lo + hi, 1)
        cnt = jnp.sum((eq & (pid2 <= mid)).astype(F32), axis=1, keepdims=True)
        good = cnt >= rrf
        return (jnp.where(good, lo, mid), jnp.where(good, mid, hi))

    lo2 = jnp.full((N, 1), -1, jnp.int32)
    hi2 = jnp.full((N, 1), NPRI - 1, jnp.int32)
    _, pstar = jax.lax.fori_loop(0, 15, tbody, (lo2, hi2))

    neg = gt | (eq & (pid2 <= pstar))
    maskb = (CT > 0.0) | neg
    loss_conf = jnp.sum(jnp.where(maskb, _smooth_l1(CD - CT), 0.0))

    c0 = class_ref[:, 0, :]
    c1 = class_ref[:, 1, :]
    c2 = class_ref[:, 2, :]
    mxl = jnp.maximum(jnp.maximum(c0, c1), c2)
    lse = mxl + jnp.log(jnp.exp(c0 - mxl) + jnp.exp(c1 - mxl) + jnp.exp(c2 - mxl))
    czi = CZ.astype(jnp.int32)
    selc = jnp.where(czi <= 0, c0, jnp.where(czi == 1, c1, c2))
    loss_c = jnp.sum(jnp.where(maskb, lse - selc, 0.0))

    part = part_ref[...]
    loss_l_tot = jnp.sum(part[:, 0:1])
    loss_lm_tot = jnp.sum(part[:, 1:2])
    ntot = jnp.maximum(jnp.sum(np_f), 1.0)
    lane = jax.lax.broadcasted_iota(jnp.int32, (1, 128), 1)
    vec = jnp.where(
        lane == 0, loss_l_tot,
        jnp.where(lane == 1, loss_conf,
                  jnp.where(lane == 2, loss_lm_tot, loss_c))) / ntot
    out_ref[...] = vec


def kernel(loc_data, conf_data, landm_data, class_data, priors, targets):
    num = loc_data.shape[0]
    locT = jnp.transpose(loc_data, (0, 2, 1)).astype(BF16)
    landmT = jnp.transpose(landm_data, (0, 2, 1)).astype(BF16)
    classT = jnp.transpose(class_data, (0, 2, 1))
    confT = conf_data[:, :, 0]

    pt = jnp.transpose(priors)
    pcx, pcy, pw, ph = pt[0:1], pt[1:2], pt[2:3], pt[3:4]
    rpw = 1.0 / pw
    rph = 1.0 / ph
    pc = jnp.concatenate([
        pcx - pw * 0.5, pcy - ph * 0.5, pcx + pw * 0.5, pcy + ph * 0.5,
        pw * ph, pcx, pcy, 10.0 * rpw, 10.0 * rph, rpw, rph], axis=0)
    r36 = jnp.arange(36, dtype=jnp.int32)[:, None]
    evn = (r36 % 2) == 0
    off36 = jnp.where(evn, pcx, pcy)
    rsc36 = jnp.where(evn, rpw, rph) * 10.0

    keys, conft, clazz, part = pl.pallas_call(
        _match_kernel,
        grid=(num,),
        in_specs=[
            pl.BlockSpec((11, NPRI), lambda i: (0, 0)),
            pl.BlockSpec((36, NPRI), lambda i: (0, 0)),
            pl.BlockSpec((36, NPRI), lambda i: (0, 0)),
            pl.BlockSpec((1, targets.shape[1], targets.shape[2]), lambda i: (i, 0, 0)),
            pl.BlockSpec((1, 4, NPRI), lambda i: (i, 0, 0)),
            pl.BlockSpec((1, 36, NPRI), lambda i: (i, 0, 0)),
            pl.BlockSpec((num, NPRI), lambda i: (0, 0)),
        ],
        out_specs=[
            pl.BlockSpec((num, NPRI), lambda i: (0, 0)),
            pl.BlockSpec((num, NPRI), lambda i: (0, 0)),
            pl.BlockSpec((num, NPRI), lambda i: (0, 0)),
            pl.BlockSpec((num, 128), lambda i: (0, 0)),
        ],
        out_shape=[
            jax.ShapeDtypeStruct((num, NPRI), jnp.int32),
            jax.ShapeDtypeStruct((num, NPRI), F32),
            jax.ShapeDtypeStruct((num, NPRI), F32),
            jax.ShapeDtypeStruct((num, 128), F32),
        ],
    )(pc, off36, rsc36, targets, locT, landmT, confT)

    out = pl.pallas_call(
        _mine_kernel,
        grid=(1,),
        in_specs=[
            pl.BlockSpec((num, NPRI), lambda i: (0, 0)),
            pl.BlockSpec((num, NPRI), lambda i: (0, 0)),
            pl.BlockSpec((num, NPRI), lambda i: (0, 0)),
            pl.BlockSpec((num, NPRI), lambda i: (0, 0)),
            pl.BlockSpec((num, 3, NPRI), lambda i: (0, 0, 0)),
            pl.BlockSpec((num, 128), lambda i: (0, 0)),
        ],
        out_specs=pl.BlockSpec((1, 128), lambda i: (0, 0)),
        out_shape=jax.ShapeDtypeStruct((1, 128), F32),
    )(keys, conft, clazz, confT, classT, part)
    return (out[0, 0], out[0, 1], out[0, 2], out[0, 3])

# --- scband reference (transcript-rebuilt; emitter-appended) ---
"""Pipeline reference for scband-multi-box-loss-48275432407105 (READ-ONLY COPY).

The authoritative reference and input builder live on the scoring server;
editing this copy changes nothing except your own understanding.
"""

import jax, jax.numpy as jnp
import numpy as np

THRESH = 0.35
VAR0 = 0.1
VAR1 = 0.2
NEGPOS = 7


def point_form(boxes):
    return jnp.concatenate([boxes[:, :2] - boxes[:, 2:] / 2, boxes[:, :2] + boxes[:, 2:] / 2], axis=1)


def intersect(box_a, box_b):
    max_xy = jnp.minimum(box_a[:, None, 2:], box_b[None, :, 2:])
    min_xy = jnp.maximum(box_a[:, None, :2], box_b[None, :, :2])
    inter = jnp.maximum(max_xy - min_xy, 0.0)
    return inter[:, :, 0] * inter[:, :, 1]


def jaccard(box_a, box_b):
    inter = intersect(box_a, box_b)
    area_a = ((box_a[:, 2] - box_a[:, 0]) * (box_a[:, 3] - box_a[:, 1]))[:, None]
    area_b = ((box_b[:, 2] - box_b[:, 0]) * (box_b[:, 3] - box_b[:, 1]))[None, :]
    union = area_a + area_b - inter
    return inter / union


def encode(matched, priors):
    g_cxcy = (matched[:, :2] + matched[:, 2:]) / 2 - priors[:, :2]
    g_cxcy = g_cxcy / (VAR0 * priors[:, 2:])
    g_wh = (matched[:, 2:] - matched[:, :2]) / priors[:, 2:]
    g_wh = jnp.log(g_wh) / VAR1
    return jnp.concatenate([g_cxcy, g_wh], axis=1)


def encode_landm(matched, priors):
    m = matched.reshape(matched.shape[0], 18, 2)
    pr = jnp.broadcast_to(priors[:, None, :], (priors.shape[0], 18, 4))
    g = (m - pr[:, :, :2]) / (VAR0 * pr[:, :, 2:])
    return g.reshape(g.shape[0], -1)


def match_one(truths, labels, landms, priors):
    overlaps = jaccard(truths, point_form(priors))
    best_prior_idx = jnp.argmax(overlaps, axis=1)
    best_truth_overlap = jnp.max(overlaps, axis=0)
    best_truth_idx = jnp.argmax(overlaps, axis=0)
    best_truth_overlap = best_truth_overlap.at[best_prior_idx].set(2.0)
    best_truth_idx = best_truth_idx.at[best_prior_idx].set(jnp.arange(truths.shape[0]))
    matches = truths[best_truth_idx]
    conf = jnp.where(best_truth_overlap < THRESH, 0.0, 1.0)
    matches_landm = landms[best_truth_idx]
    clazz = labels[best_truth_idx]
    clazz = jnp.where(best_truth_overlap < THRESH, 0.0, clazz)
    loc = encode(matches, priors)
    landm = encode_landm(matches_landm, priors)
    return loc, conf, landm, clazz


def smooth_l1(x, t):
    d = x - t
    ad = jnp.abs(d)
    return jnp.where(ad < 1.0, 0.5 * d * d, ad - 0.5)


def multibox_loss(loc_data, conf_data, landm_data, class_data, priors, targets):
    truths = targets[:, :, :4]
    landms = targets[:, :, 4:40]
    labels = targets[:, :, 40]
    loc_t, conf_t, landm_t, class_t = jax.vmap(lambda t, l, lm: match_one(t, l, lm, priors))(truths, labels, landms)
    pos = conf_t > 0
    posf = pos.astype(loc_data.dtype)
    loss_landm = jnp.sum(smooth_l1(landm_data, landm_t) * posf[:, :, None])
    loss_l = jnp.sum(smooth_l1(loc_data, loc_t) * posf[:, :, None])
    lc = conf_data[:, :, 0] - conf_t
    lc = jnp.where(pos, 0.0, lc)
    loss_idx = jnp.argsort(-lc, axis=1)
    idx_rank = jnp.argsort(loss_idx, axis=1)
    num_pos = jnp.sum(pos.astype(jnp.int32), axis=1, keepdims=True)
    num_neg = jnp.minimum(NEGPOS * num_pos, pos.shape[1] - 1)
    neg = idx_rank < num_neg
    mask = (pos | neg).astype(loc_data.dtype)
    loss_conf = jnp.sum(smooth_l1(conf_data[:, :, 0], conf_t) * mask)
    clazz_int = jax.lax.stop_gradient(class_t).astype(jnp.int32)
    logp = jax.nn.log_softmax(class_data, axis=-1)
    ce = -jnp.take_along_axis(logp, clazz_int[:, :, None], axis=-1)[:, :, 0]
    loss_c = jnp.sum(ce * mask)
    N = jnp.maximum(jnp.sum(num_pos).astype(loc_data.dtype), 1.0)
    return (loss_l / N, loss_conf / N, loss_landm / N, loss_c / N)


def setup_inputs(seed: int = 0):
    key = jax.random.key(seed)
    ks = jax.random.split(key, 10)
    num, num_priors, num_objs = 32, 16800, 32
    loc_data = jax.random.normal(ks[0], (num, num_priors, 4), dtype=jnp.float32)
    conf_data = jax.random.normal(ks[1], (num, num_priors, 1), dtype=jnp.float32)
    landm_data = jax.random.normal(ks[2], (num, num_priors, 36), dtype=jnp.float32)
    class_data = jax.random.normal(ks[3], (num, num_priors, 3), dtype=jnp.float32)
    pc = jax.random.uniform(ks[4], (num_priors, 2), minval=0.05, maxval=0.95)
    pwh = jax.random.uniform(ks[5], (num_priors, 2), minval=0.02, maxval=0.3)
    priors = jnp.concatenate([pc, pwh], axis=1).astype(jnp.float32)
    tc = jax.random.uniform(ks[6], (num, num_objs, 2), minval=0.2, maxval=0.8)
    twh = jax.random.uniform(ks[7], (num, num_objs, 2), minval=0.05, maxval=0.3)
    boxes = jnp.concatenate([tc - twh / 2, tc + twh / 2], axis=2)
    landms_t = jax.random.uniform(ks[8], (num, num_objs, 36))
    labels = jax.random.randint(ks[9], (num, num_objs, 1), 1, 3).astype(jnp.float32)
    targets = jnp.concatenate([boxes, landms_t, labels], axis=2).astype(jnp.float32)
    return {"loc_data": loc_data, "conf_data": conf_data, "landm_data": landm_data, "class_data": class_data, "priors": priors, "targets": targets}


def reference(loc_data, conf_data, landm_data, class_data, priors, targets):
    return multibox_loss(loc_data, conf_data, landm_data, class_data, priors, targets)

if __name__ == "__main__":
    import jax
    _d = setup_inputs()
    print(jax.jit(kernel)(*tuple(_d.values())))

</pallas_src>

<mosaic_0001>
module attributes {stable_mosaic.version = 14 : i64} {
  func.func @_match_kernel(%arg0: i32, %arg1: memref<11x16800xf32, #tpu.memory_space<vmem>>, %arg2: memref<36x16800xf32, #tpu.memory_space<vmem>>, %arg3: memref<36x16800xf32, #tpu.memory_space<vmem>>, %arg4: memref<1x32x41xf32, #tpu.memory_space<vmem>>, %arg5: memref<1x4x16800xbf16, #tpu.memory_space<vmem>>, %arg6: memref<1x36x16800xbf16, #tpu.memory_space<vmem>>, %arg7: memref<32x16800xf32, #tpu.memory_space<vmem>>, %arg8: memref<32x16800xi32, #tpu.memory_space<vmem>>, %arg9: memref<32x16800xf32, #tpu.memory_space<vmem>>, %arg10: memref<32x16800xf32, #tpu.memory_space<vmem>>, %arg11: memref<32x128xf32, #tpu.memory_space<vmem>>) attributes {dimension_semantics = [#tpu.dimension_semantics<arbitrary>], iteration_bounds = array<i64: 32>, scalar_prefetch = 0 : i64, scratch_operands = 0 : i64, tpu.core_type = #tpu.core_type<tc>, window_params = [{pipeline_mode = #tpu.pipeline_mode<synchronous>, transform_indices = @transform_0, window_bounds = array<i64: 11, 16800>}, {pipeline_mode = #tpu.pipeline_mode<synchronous>, transform_indices = @transform_1, window_bounds = array<i64: 36, 16800>}, {pipeline_mode = #tpu.pipeline_mode<synchronous>, transform_indices = @transform_2, window_bounds = array<i64: 36, 16800>}, {transform_indices = @transform_3, window_bounds = array<i64: 1, 32, 41>}, {transform_indices = @transform_4, window_bounds = array<i64: 1, 4, 16800>}, {transform_indices = @transform_5, window_bounds = array<i64: 1, 36, 16800>}, {pipeline_mode = #tpu.pipeline_mode<synchronous>, transform_indices = @transform_6, window_bounds = array<i64: 32, 16800>}, {pipeline_mode = #tpu.pipeline_mode<synchronous>, transform_indices = @transform_7, window_bounds = array<i64: 32, 16800>}, {pipeline_mode = #tpu.pipeline_mode<synchronous>, transform_indices = @transform_8, window_bounds = array<i64: 32, 16800>}, {pipeline_mode = #tpu.pipeline_mode<synchronous>, transform_indices = @transform_9, window_bounds = array<i64: 32, 16800>}, {pipeline_mode = #tpu.pipeline_mode<synchronous>, transform_indices = @transform_10, window_bounds = array<i64: 32, 128>}]} {
    %get3A = arith.constant 0 : index
    %get3A_0 = arith.constant 0 : index
    %get3A_1 = arith.constant 0 : index
    %get3A_2 = vector.load %arg4[%get3A, %get3A_0, %get3A_1] : memref<1x32x41xf32, #tpu.memory_space<vmem>>, vector<1x32x41xf32>
    %get3A_3 = vector.shape_cast %get3A_2 : vector<1x32x41xf32> to vector<32x41xf32>
    %get3A_4 = arith.constant 0 : index
    %get3A_5 = arith.constant 0 : index
    %get3A_6 = vector.load %arg1[%get3A_4, %get3A_5] : memref<11x16800xf32, #tpu.memory_space<vmem>>, vector<1x16800xf32>
    %get3A_7 = arith.constant 1 : index
    %get3A_8 = arith.constant 0 : index
    %get3A_9 = vector.load %arg1[%get3A_7, %get3A_8] : memref<11x16800xf32, #tpu.memory_space<vmem>>, vector<1x16800xf32>
    %get3A_10 = arith.constant 2 : index
    %get3A_11 = arith.constant 0 : index
    %get3A_12 = vector.load %arg1[%get3A_10, %get3A_11] : memref<11x16800xf32, #tpu.memory_space<vmem>>, vector<1x16800xf32>
    %get3A_13 = arith.constant 3 : index
    %get3A_14 = arith.constant 0 : index
    %get3A_15 = vector.load %arg1[%get3A_13, %get3A_14] : memref<11x16800xf32, #tpu.memory_space<vmem>>, vector<1x16800xf32>
    %get3A_16 = arith.constant 4 : index
    %get3A_17 = arith.constant 0 : index
    %get3A_18 = vector.load %arg1[%get3A_16, %get3A_17] : memref<11x16800xf32, #tpu.memory_space<vmem>>, vector<1x16800xf32>
    %get3A_19 = arith.constant 5 : index
    %get3A_20 = arith.constant 0 : index
    %get3A_21 = vector.load %arg1[%get3A_19, %get3A_20] : memref<11x16800xf32, #tpu.memory_space<vmem>>, vector<1x16800xf32>
    %get3A_22 = arith.constant 6 : index
    %get3A_23 = arith.constant 0 : index
    %get3A_24 = vector.load %arg1[%get3A_22, %get3A_23] : memref<11x16800xf32, #tpu.memory_space<vmem>>, vector<1x16800xf32>
    %get3A_25 = arith.constant 7 : index
    %get3A_26 = arith.constant 0 : index
    %get3A_27 = vector.load %arg1[%get3A_25, %get3A_26] : memref<11x16800xf32, #tpu.memory_space<vmem>>, vector<1x16800xf32>
    %get3A_28 = arith.constant 8 : index
    %get3A_29 = arith.constant 0 : index
    %get3A_30 = vector.load %arg1[%get3A_28, %get3A_29] : memref<11x16800xf32, #tpu.memory_space<vmem>>, vector<1x16800xf32>
    %get3A_31 = arith.constant 9 : index
    %get3A_32 = arith.constant 0 : index
    %get3A_33 = vector.load %arg1[%get3A_31, %get3A_32] : memref<11x16800xf32, #tpu.memory_space<vmem>>, vector<1x16800xf32>
    %get3A_34 = arith.constant 10 : index
    %get3A_35 = arith.constant 0 : index
    %get3A_36 = vector.load %arg1[%get3A_34, %get3A_35] : memref<11x16800xf32, #tpu.memory_space<vmem>>, vector<1x16800xf32>
    %slice3A = vector.extract_strided_slice %get3A_3 {offsets = [0, 0], sizes = [32, 1], strides = [1, 1]} : vector<32x41xf32> to vector<32x1xf32>
    %slice3A_37 = vector.extract_strided_slice %get3A_3 {offsets = [0, 1], sizes = [32, 1], strides = [1, 1]} : vector<32x41xf32> to vector<32x1xf32>
    %slice3A_38 = vector.extract_strided_slice %get3A_3 {offsets = [0, 2], sizes = [32, 1], strides = [1, 1]} : vector<32x41xf32> to vector<32x1xf32>
    %slice3A_39 = vector.extract_strided_slice %get3A_3 {offsets = [0, 3], sizes = [32, 1], strides = [1, 1]} : vector<32x41xf32> to vector<32x1xf32>
    %min3A = vector.broadcast %get3A_12 : vector<1x16800xf32> to vector<32x16800xf32>
    %min3A_40 = vector.broadcast %slice3A_38 : vector<32x1xf32> to vector<32x16800xf32>
    %min3A_41 = arith.minimumf %min3A, %min3A_40 : vector<32x16800xf32>
    %max3A = vector.broadcast %get3A_6 : vector<1x16800xf32> to vector<32x16800xf32>
    %max3A_42 = vector.broadcast %slice3A : vector<32x1xf32> to vector<32x16800xf32>
    %max3A_43 = arith.maximumf %max3A, %max3A_42 : vector<32x16800xf32>
    %sub3A = arith.subf %min3A_41, %max3A_43 : vector<32x16800xf32>
    %max3A_44 = arith.constant 0.000000e+00 : f32
    %max3A_45 = vector.broadcast %max3A_44 : f32 to vector<32x16800xf32>
    %max3A_46 = arith.maximumf %sub3A, %max3A_45 : vector<32x16800xf32>
    %min3A_47 = vector.broadcast %get3A_15 : vector<1x16800xf32> to vector<32x16800xf32>
    %min3A_48 = vector.broadcast %slice3A_39 : vector<32x1xf32> to vector<32x16800xf32>
    %min3A_49 = arith.minimumf %min3A_47, %min3A_48 : vector<32x16800xf32>
    %max3A_50 = vector.broadcast %get3A_9 : vector<1x16800xf32> to vector<32x16800xf32>
    %max3A_51 = vector.broadcast %slice3A_37 : vector<32x1xf32> to vector<32x16800xf32>
    %max3A_52 = arith.maximumf %max3A_50, %max3A_51 : vector<32x16800xf32>
    %sub3A_53 = arith.subf %min3A_49, %max3A_52 : vector<32x16800xf32>
    %max3A_54 = arith.constant 0.000000e+00 : f32
    %max3A_55 = vector.broadcast %max3A_54 : f32 to vector<32x16800xf32>
    %max3A_56 = arith.maximumf %sub3A_53, %max3A_55 : vector<32x16800xf32>
    %mul3A = arith.mulf %max3A_46, %max3A_56 : vector<32x16800xf32>
    %sub3A_57 = arith.subf %slice3A_38, %slice3A : vector<32x1xf32>
    %sub3A_58 = arith.subf %slice3A_39, %slice3A_37 : vector<32x1xf32>
    %mul3A_59 = arith.mulf %sub3A_57, %sub3A_58 : vector<32x1xf32>
    %add3A = vector.broadcast %mul3A_59 : vector<32x1xf32> to vector<32x16800xf32>
    %add3A_60 = vector.broadcast %get3A_18 : vector<1x16800xf32> to vector<32x16800xf32>
    %add3A_61 = arith.addf %add3A, %add3A_60 : vector<32x16800xf32>
    %sub3A_62 = arith.subf %add3A_61, %mul3A : vector<32x16800xf32>
    %div3A = arith.divf %mul3A, %sub3A_62 : vector<32x16800xf32>
    %iota3A = tpu.iota {dimensions = array<i32: 0>} : vector<32x1xi32>
    %iota3A_63 = tpu.iota {dimensions = array<i32: 1>} : vector<1x16800xi32>
    %reduce_max3A = arith.constant dense<0xFF800000> : vector<16800xf32>
    %reduce_max3A_64 = vector.multi_reduction <maximumf>, %div3A, %reduce_max3A [0] : vector<32x16800xf32> to vector<16800xf32>
    %broadcast_in_dim3A = vector.shape_cast %reduce_max3A_64 : vector<16800xf32> to vector<1x16800xf32>
    %eq3A = vector.broadcast %broadcast_in_dim3A : vector<1x16800xf32> to vector<32x16800xf32>
    %eq3A_65 = arith.cmpf oeq, %div3A, %eq3A : vector<32x16800xf32>
    %jit3A = arith.constant 32 : i32
    %broadcast_in_dim3A_66 = vector.shape_cast %iota3A : vector<32x1xi32> to vector<32x1xi32>
    %broadcast_in_dim3A_67 = vector.broadcast %broadcast_in_dim3A_66 : vector<32x1xi32> to vector<32x16800xi32>
    %broadcast_in_dim3A_68 = vector.broadcast %jit3A : i32 to vector<32x16800xi32>
    %select_n3A = arith.select %eq3A_65, %broadcast_in_dim3A_67, %broadcast_in_dim3A_68 : vector<32x16800xi1>, vector<32x16800xi32>
    %reduce_min3A = arith.constant dense<2147483647> : vector<16800xi32>
    %reduce_min3A_69 = vector.multi_reduction <minsi>, %select_n3A, %reduce_min3A [0] : vector<32x16800xi32> to vector<16800xi32>
    %broadcast_in_dim3A_70 = vector.shape_cast %reduce_min3A_69 : vector<16800xi32> to vector<1x16800xi32>
    %reduce_max3A_71 = arith.constant dense<0xFF800000> : vector<32xf32>
    %reduce_max3A_72 = vector.multi_reduction <maximumf>, %div3A, %reduce_max3A_71 [1] : vector<32x16800xf32> to vector<32xf32>
    %broadcast_in_dim3A_73 = vector.shape_cast %reduce_max3A_72 : vector<32xf32> to vector<32x1xf32>
    %eq3A_74 = vector.broadcast %broadcast_in_dim3A_73 : vector<32x1xf32> to vector<32x16800xf32>
    %eq3A_75 = arith.cmpf oeq, %div3A, %eq3A_74 : vector<32x16800xf32>
    %jit3A_76 = arith.constant 16800 : i32
    %broadcast_in_dim3A_77 = vector.shape_cast %iota3A_63 : vector<1x16800xi32> to vector<1x16800xi32>
    %broadcast_in_dim3A_78 = vector.broadcast %broadcast_in_dim3A_77 : vector<1x16800xi32> to vector<32x16800xi32>
    %broadcast_in_dim3A_79 = vector.broadcast %jit3A_76 : i32 to vector<32x16800xi32>
    %select_n3A_80 = arith.select %eq3A_75, %broadcast_in_dim3A_78, %broadcast_in_dim3A_79 : vector<32x16800xi1>, vector<32x16800xi32>
    %reduce_min3A_81 = arith.constant dense<2147483647> : vector<32xi32>
    %reduce_min3A_82 = vector.multi_reduction <minsi>, %select_n3A_80, %reduce_min3A_81 [1] : vector<32x16800xi32> to vector<32xi32>
    %broadcast_in_dim3A_83 = vector.shape_cast %reduce_min3A_82 : vector<32xi32> to vector<32x1xi32>
    %eq3A_84 = vector.broadcast %iota3A_63 : vector<1x16800xi32> to vector<32x16800xi32>
    %eq3A_85 = vector.broadcast %broadcast_in_dim3A_83 : vector<32x1xi32> to vector<32x16800xi32>
    %eq3A_86 = arith.cmpi eq, %eq3A_84, %eq3A_85 : vector<32x16800xi32>
    %jit3A_87 = arith.constant -1 : i32
    %broadcast_in_dim3A_88 = vector.shape_cast %iota3A : vector<32x1xi32> to vector<32x1xi32>
    %broadcast_in_dim3A_89 = vector.broadcast %broadcast_in_dim3A_88 : vector<32x1xi32> to vector<32x16800xi32>
    %broadcast_in_dim3A_90 = vector.broadcast %jit3A_87 : i32 to vector<32x16800xi32>
    %select_n3A_91 = arith.select %eq3A_86, %broadcast_in_dim3A_89, %broadcast_in_dim3A_90 : vector<32x16800xi1>, vector<32x16800xi32>
    %reduce_max3A_92 = arith.constant dense<-2147483648> : vector<16800xi32>
    %reduce_max3A_93 = vector.multi_reduction <maxsi>, %select_n3A_91, %reduce_max3A_92 [0] : vector<32x16800xi32> to vector<16800xi32>
    %broadcast_in_dim3A_94 = vector.shape_cast %reduce_max3A_93 : vector<16800xi32> to vector<1x16800xi32>
    %ge3A = arith.constant 0 : i32
    %ge3A_95 = vector.broadcast %ge3A : i32 to vector<1x16800xi32>
    %ge3A_96 = arith.cmpi sge, %broadcast_in_dim3A_94, %ge3A_95 : vector<1x16800xi32>
    %select_n3A_97 = arith.select %ge3A_96, %broadcast_in_dim3A_94, %broadcast_in_dim3A_70 : vector<1x16800xi1>, vector<1x16800xi32>
    %jit3A_98 = arith.constant 2.000000e+00 : f32
    %broadcast_in_dim3A_99 = vector.broadcast %jit3A_98 : f32 to vector<1x16800xf32>
    %select_n3A_100 = arith.select %ge3A_96, %broadcast_in_dim3A_99, %broadcast_in_dim3A : vector<1x16800xi1>, vector<1x16800xf32>
    %lt3A = arith.constant 3.500000e-01 : f32
    %lt3A_101 = vector.broadcast %lt3A : f32 to vector<1x16800xf32>
    %lt3A_102 = arith.cmpf olt, %select_n3A_100, %lt3A_101 : vector<1x16800xf32>
    %jit3A_103 = arith.constant 0.000000e+00 : f32
    %jit3A_104 = arith.constant 1.000000e+00 : f32
    %broadcast_in_dim3A_105 = vector.broadcast %jit3A_103 : f32 to vector<1x16800xf32>
    %broadcast_in_dim3A_106 = vector.broadcast %jit3A_104 : f32 to vector<1x16800xf32>
    %select_n3A_107 = arith.select %lt3A_102, %broadcast_in_dim3A_105, %broadcast_in_dim3A_106 : vector<1x16800xi1>, vector<1x16800xf32>
    %gt3A = arith.constant 0.000000e+00 : f32
    %gt3A_108 = vector.broadcast %gt3A : f32 to vector<1x16800xf32>
    %gt3A_109 = arith.cmpf ogt, %select_n3A_107, %gt3A_108 : vector<1x16800xf32>
    %eq3A_110 = vector.broadcast %iota3A : vector<32x1xi32> to vector<32x16800xi32>
    %eq3A_111 = vector.broadcast %select_n3A_97 : vector<1x16800xi32> to vector<32x16800xi32>
    %eq3A_112 = arith.cmpi eq, %eq3A_110, %eq3A_111 : vector<32x16800xi32>
    %convert_element_type3A = arith.extui %eq3A_112 : vector<32x16800xi1> to vector<32x16800xi32>
    %convert_element_type3A_113 = arith.sitofp %convert_element_type3A : vector<32x16800xi32> to vector<32x16800xf32>
    %convert_element_type3A_114 = arith.truncf %convert_element_type3A_113 : vector<32x16800xf32> to vector<32x16800xbf16>
    %convert_element_type3A_115 = arith.truncf %get3A_3 : vector<32x41xf32> to vector<32x41xbf16>
    %convert_element_type3A_116 = arith.extf %convert_element_type3A_115 : vector<32x41xbf16> to vector<32x41xf32>
    %sub3A_117 = arith.subf %get3A_3, %convert_element_type3A_116 : vector<32x41xf32>
    %convert_element_type3A_118 = arith.truncf %sub3A_117 : vector<32x41xf32> to vector<32x41xbf16>
    %dot_general3A = arith.constant dense<0.000000e+00> : vector<41x16800xf32>
    %dot_general3A_119 = tpu.matmul %convert_element_type3A_115, %convert_element_type3A_114, %dot_general3A {dimension_numbers = #tpu.dot_dimension_numbers<[0], [0], [1], [1], [0, 1, 1, 1], [], []>, transpose_lhs_hint = false} : vector<32x41xbf16>, vector<32x16800xbf16>, vector<41x16800xf32> -> vector<41x16800xf32>
    %dot_general3A_120 = arith.constant dense<0.000000e+00> : vector<41x16800xf32>
    %dot_general3A_121 = tpu.matmul %convert_element_type3A_118, %convert_element_type3A_114, %dot_general3A_120 {dimension_numbers = #tpu.dot_dimension_numbers<[0], [0], [1], [1], [0, 1, 1, 1], [], []>, transpose_lhs_hint = false} : vector<32x41xbf16>, vector<32x16800xbf16>, vector<41x16800xf32> -> vector<41x16800xf32>
    %add3A_122 = arith.addf %dot_general3A_119, %dot_general3A_121 : vector<41x16800xf32>
    %lt3A_123 = arith.constant 3.500000e-01 : f32
    %lt3A_124 = vector.broadcast %lt3A_123 : f32 to vector<1x16800xf32>
    %lt3A_125 = arith.cmpf olt, %select_n3A_100, %lt3A_124 : vector<1x16800xf32>
    %slice3A_126 = vector.extract_strided_slice %add3A_122 {offsets = [40, 0], sizes = [1, 16800], strides = [1, 1]} : vector<41x16800xf32> to vector<1x16800xf32>
    %jit3A_127 = arith.constant 0.000000e+00 : f32
    %broadcast_in_dim3A_128 = vector.broadcast %jit3A_127 : f32 to vector<1x16800xf32>
    %select_n3A_129 = arith.select %lt3A_125, %broadcast_in_dim3A_128, %slice3A_126 : vector<1x16800xi1>, vector<1x16800xf32>
    %slice3A_130 = vector.extract_strided_slice %add3A_122 {offsets = [0, 0], sizes = [1, 16800], strides = [1, 1]} : vector<41x16800xf32> to vector<1x16800xf32>
    %slice3A_131 = vector.extract_strided_slice %add3A_122 {offsets = [1, 0], sizes = [1, 16800], strides = [1, 1]} : vector<41x16800xf32> to vector<1x16800xf32>
    %slice3A_132 = vector.extract_strided_slice %add3A_122 {offsets = [2, 0], sizes = [1, 16800], strides = [1, 1]} : vector<41x16800xf32> to vector<1x16800xf32>
    %slice3A_133 = vector.extract_strided_slice %add3A_122 {offsets = [3, 0], sizes = [1, 16800], strides = [1, 1]} : vector<41x16800xf32> to vector<1x16800xf32>
    %add3A_134 = arith.addf %slice3A_130, %slice3A_132 : vector<1x16800xf32>
    %mul3A_135 = arith.constant 5.000000e-01 : f32
    %mul3A_136 = vector.broadcast %mul3A_135 : f32 to vector<1x16800xf32>
    %mul3A_137 = arith.mulf %add3A_134, %mul3A_136 : vector<1x16800xf32>
    %sub3A_138 = arith.subf %mul3A_137, %get3A_21 : vector<1x16800xf32>
    %mul3A_139 = arith.mulf %sub3A_138, %get3A_27 : vector<1x16800xf32>
    %add3A_140 = arith.addf %slice3A_131, %slice3A_133 : vector<1x16800xf32>
    %mul3A_141 = arith.constant 5.000000e-01 : f32
    %mul3A_142 = vector.broadcast %mul3A_141 : f32 to vector<1x16800xf32>
    %mul3A_143 = arith.mulf %add3A_140, %mul3A_142 : vector<1x16800xf32>
    %sub3A_144 = arith.subf %mul3A_143, %get3A_24 : vector<1x16800xf32>
    %mul3A_145 = arith.mulf %sub3A_144, %get3A_30 : vector<1x16800xf32>
    %sub3A_146 = arith.subf %slice3A_132, %slice3A_130 : vector<1x16800xf32>
    %mul3A_147 = arith.mulf %sub3A_146, %get3A_33 : vector<1x16800xf32>
    %log3A = math.log %mul3A_147 : vector<1x16800xf32>
    %mul3A_148 = arith.constant 5.000000e+00 : f32
    %mul3A_149 = vector.broadcast %mul3A_148 : f32 to vector<1x16800xf32>
    %mul3A_150 = arith.mulf %log3A, %mul3A_149 : vector<1x16800xf32>
    %sub3A_151 = arith.subf %slice3A_133, %slice3A_131 : vector<1x16800xf32>
    %mul3A_152 = arith.mulf %sub3A_151, %get3A_36 : vector<1x16800xf32>
    %log3A_153 = math.log %mul3A_152 : vector<1x16800xf32>
    %mul3A_154 = arith.constant 5.000000e+00 : f32
    %mul3A_155 = vector.broadcast %mul3A_154 : f32 to vector<1x16800xf32>
    %mul3A_156 = arith.mulf %log3A_153, %mul3A_155 : vector<1x16800xf32>
    %concatenate3A = tpu.concatenate %mul3A_139, %mul3A_145, %mul3A_150, %mul3A_156 in 0 : vector<1x16800xf32>, vector<1x16800xf32>, vector<1x16800xf32>, vector<1x16800xf32> -> vector<4x16800xf32>
    %get3A_157 = arith.constant 0 : index
    %get3A_158 = arith.constant 0 : index
    %get3A_159 = arith.constant 0 : index
    %get3A_160 = vector.load %arg5[%get3A_157, %get3A_158, %get3A_159] : memref<1x4x16800xbf16, #tpu.memory_space<vmem>>, vector<1x4x16800xbf16>
    %get3A_161 = vector.shape_cast %get3A_160 : vector<1x4x16800xbf16> to vector<4x16800xbf16>
    %convert_element_type3A_162 = arith.extf %get3A_161 : vector<4x16800xbf16> to vector<4x16800xf32>
    %sub3A_163 = arith.subf %convert_element_type3A_162, %concatenate3A : vector<4x16800xf32>
    %abs3A = math.absf %sub3A_163 : vector<4x16800xf32>
    %lt3A_164 = arith.constant 1.000000e+00 : f32
    %lt3A_165 = vector.broadcast %lt3A_164 : f32 to vector<4x16800xf32>
    %lt3A_166 = arith.cmpf olt, %abs3A, %lt3A_165 : vector<4x16800xf32>
    %mul3A_167 = arith.constant 5.000000e-01 : f32
    %mul3A_168 = vector.broadcast %mul3A_167 : f32 to vector<4x16800xf32>
    %mul3A_169 = arith.mulf %mul3A_168, %sub3A_163 : vector<4x16800xf32>
    %mul3A_170 = arith.mulf %mul3A_169, %sub3A_163 : vector<4x16800xf32>
    %sub3A_171 = arith.constant 5.000000e-01 : f32
    %sub3A_172 = vector.broadcast %sub3A_171 : f32 to vector<4x16800xf32>
    %sub3A_173 = arith.subf %abs3A, %sub3A_172 : vector<4x16800xf32>
    %select_n3A_174 = arith.select %lt3A_166, %mul3A_170, %sub3A_173 : vector<4x16800xi1>, vector<4x16800xf32>
    %jit3A_175 = arith.constant 0.000000e+00 : f32
    %broadcast_in_dim3A_176 = vector.shape_cast %gt3A_109 : vector<1x16800xi1> to vector<1x16800xi1>
    %broadcast_in_dim3A_177 = vector.broadcast %broadcast_in_dim3A_176 : vector<1x16800xi1> to vector<4x16800xi1>
    %broadcast_in_dim3A_178 = vector.broadcast %jit3A_175 : f32 to vector<4x16800xf32>
    %select_n3A_179 = arith.select %broadcast_in_dim3A_177, %select_n3A_174, %broadcast_in_dim3A_178 : vector<4x16800xi1>, vector<4x16800xf32>
    %reduce_sum3A = vector.shape_cast %select_n3A_179 : vector<4x16800xf32> to vector<1x4x16800xf32>
    %reduce_sum3A_180 = arith.constant dense<0.000000e+00> : vector<1xf32>
    %reduce_sum3A_181 = vector.multi_reduction <add>, %reduce_sum3A, %reduce_sum3A_180 [1, 2] : vector<1x4x16800xf32> to vector<1xf32>
    %reduce_sum3A_182 = vector.shape_cast %reduce_sum3A_181 : vector<1xf32> to vector<1x1x1xf32>
    %reduce_sum3A_183 = vector.extract %reduce_sum3A_182[0, 0, 0] : f32 from vector<1x1x1xf32>
    %slice3A_184 = vector.extract_strided_slice %add3A_122 {offsets = [4, 0], sizes = [36, 16800], strides = [1, 1]} : vector<41x16800xf32> to vector<36x16800xf32>
    %get3A_185 = arith.constant 0 : index
    %get3A_186 = arith.constant 0 : index
    %get3A_187 = vector.load %arg2[%get3A_185, %get3A_186] : memref<36x16800xf32, #tpu.memory_space<vmem>>, vector<36x16800xf32>
    %sub3A_188 = arith.subf %slice3A_184, %get3A_187 : vector<36x16800xf32>
    %get3A_189 = arith.constant 0 : index
    %get3A_190 = arith.constant 0 : index
    %get3A_191 = vector.load %arg3[%get3A_189, %get3A_190] : memref<36x16800xf32, #tpu.memory_space<vmem>>, vector<36x16800xf32>
    %mul3A_192 = arith.mulf %sub3A_188, %get3A_191 : vector<36x16800xf32>
    %get3A_193 = arith.constant 0 : index
    %get3A_194 = arith.constant 0 : index
    %get3A_195 = arith.constant 0 : index
    %get3A_196 = vector.load %arg6[%get3A_193, %get3A_194, %get3A_195] : memref<1x36x16800xbf16, #tpu.memory_space<vmem>>, vector<1x36x16800xbf16>
    %get3A_197 = vector.shape_cast %get3A_196 : vector<1x36x16800xbf16> to vector<36x16800xbf16>
    %convert_element_type3A_198 = arith.extf %get3A_197 : vector<36x16800xbf16> to vector<36x16800xf32>
    %sub3A_199 = arith.subf %convert_element_type3A_198, %mul3A_192 : vector<36x16800xf32>
    %abs3A_200 = math.absf %sub3A_199 : vector<36x16800xf32>
    %lt3A_201 = arith.constant 1.000000e+00 : f32
    %lt3A_202 = vector.broadcast %lt3A_201 : f32 to vector<36x16800xf32>
    %lt3A_203 = arith.cmpf olt, %abs3A_200, %lt3A_202 : vector<36x16800xf32>
    %mul3A_204 = arith.constant 5.000000e-01 : f32
    %mul3A_205 = vector.broadcast %mul3A_204 : f32 to vector<36x16800xf32>
    %mul3A_206 = arith.mulf %mul3A_205, %sub3A_199 : vector<36x16800xf32>
    %mul3A_207 = arith.mulf %mul3A_206, %sub3A_199 : vector<36x16800xf32>
    %sub3A_208 = arith.constant 5.000000e-01 : f32
    %sub3A_209 = vector.broadcast %sub3A_208 : f32 to vector<36x16800xf32>
    %sub3A_210 = arith.subf %abs3A_200, %sub3A_209 : vector<36x16800xf32>
    %select_n3A_211 = arith.select %lt3A_203, %mul3A_207, %sub3A_210 : vector<36x16800xi1>, vector<36x16800xf32>
    %jit3A_212 = arith.constant 0.000000e+00 : f32
    %broadcast_in_dim3A_213 = vector.shape_cast %gt3A_109 : vector<1x16800xi1> to vector<1x16800xi1>
    %broadcast_in_dim3A_214 = vector.broadcast %broadcast_in_dim3A_213 : vector<1x16800xi1> to vector<36x16800xi1>
    %broadcast_in_dim3A_215 = vector.broadcast %jit3A_212 : f32 to vector<36x16800xf32>
    %select_n3A_216 = arith.select %broadcast_in_dim3A_214, %select_n3A_211, %broadcast_in_dim3A_215 : vector<36x16800xi1>, vector<36x16800xf32>
    %reduce_sum3A_217 = vector.shape_cast %select_n3A_216 : vector<36x16800xf32> to vector<1x36x16800xf32>
    %reduce_sum3A_218 = arith.constant dense<0.000000e+00> : vector<1xf32>
    %reduce_sum3A_219 = vector.multi_reduction <add>, %reduce_sum3A_217, %reduce_sum3A_218 [1, 2] : vector<1x36x16800xf32> to vector<1xf32>
    %reduce_sum3A_220 = vector.shape_cast %reduce_sum3A_219 : vector<1xf32> to vector<1x1x1xf32>
    %reduce_sum3A_221 = vector.extract %reduce_sum3A_220[0, 0, 0] : f32 from vector<1x1x1xf32>
    %get3A_222 = arith.index_cast %arg0 : i32 to index
    %get3A_223 = arith.constant 0 : index
    %get3A_224 = vector.load %arg7[%get3A_222, %get3A_223] : memref<32x16800xf32, #tpu.memory_space<vmem>>, vector<1x16800xf32>
    %sub3A_225 = arith.subf %get3A_224, %select_n3A_107 : vector<1x16800xf32>
    %jit3A_226 = arith.constant 0.000000e+00 : f32
    %broadcast_in_dim3A_227 = vector.broadcast %jit3A_226 : f32 to vector<1x16800xf32>
    %select_n3A_228 = arith.select %gt3A_109, %broadcast_in_dim3A_227, %sub3A_225 : vector<1x16800xi1>, vector<1x16800xf32>
    %bitcast_convert_type3A = tpu.bitcast %select_n3A_228 : vector<1x16800xf32> -> vector<1x16800xi32>
    %lt3A_229 = arith.constant 0 : i32
    %lt3A_230 = vector.broadcast %lt3A_229 : i32 to vector<1x16800xi32>
    %lt3A_231 = arith.cmpi slt, %bitcast_convert_type3A, %lt3A_230 : vector<1x16800xi32>
    %xor3A = arith.constant 2147483647 : i32
    %xor3A_232 = vector.broadcast %xor3A : i32 to vector<1x16800xi32>
    %xor3A_233 = arith.xori %bitcast_convert_type3A, %xor3A_232 : vector<1x16800xi32>
    %select_n3A_234 = arith.select %lt3A_231, %xor3A_233, %bitcast_convert_type3A : vector<1x16800xi1>, vector<1x16800xi32>
    %swap3A = arith.index_cast %arg0 : i32 to index
    %swap3A_235 = arith.constant 0 : index
    %swap3A_236 = vector.load %arg8[%swap3A, %swap3A_235] : memref<32x16800xi32, #tpu.memory_space<vmem>>, vector<1x16800xi32>
    tpu.vector_store %arg8[%swap3A, %swap3A_235], %select_n3A_234 {strides = array<i32>} : memref<32x16800xi32, #tpu.memory_space<vmem>>, vector<1x16800xi32>,
    %swap3A_237 = arith.index_cast %arg0 : i32 to index
    %swap3A_238 = arith.constant 0 : index
    %swap3A_239 = vector.load %arg9[%swap3A_237, %swap3A_238] : memref<32x16800xf32, #tpu.memory_space<vmem>>, vector<1x16800xf32>
    tpu.vector_store %arg9[%swap3A_237, %swap3A_238], %select_n3A_107 {strides = array<i32>} : memref<32x16800xf32, #tpu.memory_space<vmem>>, vector<1x16800xf32>,
    %swap3A_240 = arith.index_cast %arg0 : i32 to index
    %swap3A_241 = arith.constant 0 : index
    %swap3A_242 = vector.load %arg10[%swap3A_240, %swap3A_241] : memref<32x16800xf32, #tpu.memory_space<vmem>>, vector<1x16800xf32>
    tpu.vector_store %arg10[%swap3A_240, %swap3A_241], %select_n3A_129 {strides = array<i32>} : memref<32x16800xf32, #tpu.memory_space<vmem>>, vector<1x16800xf32>,
    %iota3A_243 = tpu.iota {dimensions = array<i32: 1>} : vector<1x128xi32>
    %eq3A_244 = arith.constant 0 : i32
    %eq3A_245 = vector.broadcast %eq3A_244 : i32 to vector<1x128xi32>
    %eq3A_246 = arith.cmpi eq, %iota3A_243, %eq3A_245 : vector<1x128xi32>
    %eq3A_247 = arith.constant 1 : i32
    %eq3A_248 = vector.broadcast %eq3A_247 : i32 to vector<1x128xi32>
    %eq3A_249 = arith.cmpi eq, %iota3A_243, %eq3A_248 : vector<1x128xi32>
    %jit3A_250 = arith.constant 0.000000e+00 : f32
    %broadcast_in_dim3A_251 = vector.broadcast %reduce_sum3A_221 : f32 to vector<1x128xf32>
    %broadcast_in_dim3A_252 = vector.broadcast %jit3A_250 : f32 to vector<1x128xf32>
    %select_n3A_253 = arith.select %eq3A_249, %broadcast_in_dim3A_251, %broadcast_in_dim3A_252 : vector<1x128xi1>, vector<1x128xf32>
    %broadcast_in_dim3A_254 = vector.broadcast %reduce_sum3A_183 : f32 to vector<1x128xf32>
    %select_n3A_255 = arith.select %eq3A_246, %broadcast_in_dim3A_254, %select_n3A_253 : vector<1x128xi1>, vector<1x128xf32>
    %swap3A_256 = arith.index_cast %arg0 : i32 to index
    %swap3A_257 = arith.constant 0 : index
    %swap3A_258 = vector.load %arg11[%swap3A_256, %swap3A_257] : memref<32x128xf32, #tpu.memory_space<vmem>>, vector<1x128xf32>
    tpu.vector_store %arg11[%swap3A_256, %swap3A_257], %select_n3A_255 {strides = array<i32>} : memref<32x128xf32, #tpu.memory_space<vmem>>, vector<1x128xf32>,
    return
  }
  func.func @transform_0(%arg0: i32) -> (i32, i32) {
    %c0_i32 = arith.constant 0 : i32
    %c0_i32_0 = arith.constant 0 : i32
    %c0_i32_1 = arith.constant 0 : i32
    return %c0_i32, %c0_i32_0 : i32, i32
  }
  func.func @transform_1(%arg0: i32) -> (i32, i32) {
    %c0_i32 = arith.constant 0 : i32
    %c0_i32_0 = arith.constant 0 : i32
    %c0_i32_1 = arith.constant 0 : i32
    return %c0_i32, %c0_i32_0 : i32, i32
  }
  func.func @transform_2(%arg0: i32) -> (i32, i32) {
    %c0_i32 = arith.constant 0 : i32
    %c0_i32_0 = arith.constant 0 : i32
    %c0_i32_1 = arith.constant 0 : i32
    return %c0_i32, %c0_i32_0 : i32, i32
  }
  func.func @transform_3(%arg0: i32) -> (i32, i32, i32) {
    %c0_i32 = arith.constant 0 : i32
    %c0_i32_0 = arith.constant 0 : i32
    %c0_i32_1 = arith.constant 0 : i32
    return %arg0, %c0_i32, %c0_i32_0 : i32, i32, i32
  }
  func.func @transform_4(%arg0: i32) -> (i32, i32, i32) {
    %c0_i32 = arith.constant 0 : i32
    %c0_i32_0 = arith.constant 0 : i32
    %c0_i32_1 = arith.constant 0 : i32
    return %arg0, %c0_i32, %c0_i32_0 : i32, i32, i32
  }
  func.func @transform_5(%arg0: i32) -> (i32, i32, i32) {
    %c0_i32 = arith.constant 0 : i32
    %c0_i32_0 = arith.constant 0 : i32
    %c0_i32_1 = arith.constant 0 : i32
    return %arg0, %c0_i32, %c0_i32_0 : i32, i32, i32
  }
  func.func @transform_6(%arg0: i32) -> (i32, i32) {
    %c0_i32 = arith.constant 0 : i32
    %c0_i32_0 = arith.constant 0 : i32
    %c0_i32_1 = arith.constant 0 : i32
    return %c0_i32, %c0_i32_0 : i32, i32
  }
  func.func @transform_7(%arg0: i32) -> (i32, i32) {
    %c0_i32 = arith.constant 0 : i32
    %c0_i32_0 = arith.constant 0 : i32
    %c0_i32_1 = arith.constant 0 : i32
    return %c0_i32, %c0_i32_0 : i32, i32
  }
  func.func @transform_8(%arg0: i32) -> (i32, i32) {
    %c0_i32 = arith.constant 0 : i32
    %c0_i32_0 = arith.constant 0 : i32
    %c0_i32_1 = arith.constant 0 : i32
    return %c0_i32, %c0_i32_0 : i32, i32
  }
  func.func @transform_9(%arg0: i32) -> (i32, i32) {
    %c0_i32 = arith.constant 0 : i32
    %c0_i32_0 = arith.constant 0 : i32
    %c0_i32_1 = arith.constant 0 : i32
    return %c0_i32, %c0_i32_0 : i32, i32
  }
  func.func @transform_10(%arg0: i32) -> (i32, i32) {
    %c0_i32 = arith.constant 0 : i32
    %c0_i32_0 = arith.constant 0 : i32
    %c0_i32_1 = arith.constant 0 : i32
    return %c0_i32, %c0_i32_0 : i32, i32
  }
}

module attributes {stable_mosaic.version = 14 : i64} {
  func.func @_mine_kernel(%arg0: i32, %arg1: memref<32x16800xi32, #tpu.memory_space<vmem>>, %arg2: memref<32x16800xf32, #tpu.memory_space<vmem>>, %arg3: memref<32x16800xf32, #tpu.memory_space<vmem>>, %arg4: memref<32x16800xf32, #tpu.memory_space<vmem>>, %arg5: memref<32x3x16800xf32, #tpu.memory_space<vmem>>, %arg6: memref<32x128xf32, #tpu.memory_space<vmem>>, %arg7: memref<1x128xf32, #tpu.memory_space<vmem>>) attributes {dimension_semantics = [#tpu.dimension_semantics<arbitrary>], iteration_bounds = array<i64: 1>, scalar_prefetch = 0 : i64, scratch_operands = 0 : i64, tpu.core_type = #tpu.core_type<tc>, window_params = [{pipeline_mode = #tpu.pipeline_mode<synchronous>, transform_indices = @transform_0, window_bounds = array<i64: 32, 16800>}, {pipeline_mode = #tpu.pipeline_mode<synchronous>, transform_indices = @transform_1, window_bounds = array<i64: 32, 16800>}, {pipeline_mode = #tpu.pipeline_mode<synchronous>, transform_indices = @transform_2, window_bounds = array<i64: 32, 16800>}, {pipeline_mode = #tpu.pipeline_mode<synchronous>, transform_indices = @transform_3, window_bounds = array<i64: 32, 16800>}, {pipeline_mode = #tpu.pipeline_mode<synchronous>, transform_indices = @transform_4, window_bounds = array<i64: 32, 3, 16800>}, {pipeline_mode = #tpu.pipeline_mode<synchronous>, transform_indices = @transform_5, window_bounds = array<i64: 32, 128>}, {pipeline_mode = #tpu.pipeline_mode<synchronous>, transform_indices = @transform_6, window_bounds = array<i64: 1, 128>}]} {
    %get3A = arith.constant 0 : index
    %get3A_0 = arith.constant 0 : index
    %get3A_1 = vector.load %arg1[%get3A, %get3A_0] : memref<32x16800xi32, #tpu.memory_space<vmem>>, vector<32x16800xi32>
    %get3A_2 = arith.constant 0 : index
    %get3A_3 = arith.constant 0 : index
    %get3A_4 = vector.load %arg2[%get3A_2, %get3A_3] : memref<32x16800xf32, #tpu.memory_space<vmem>>, vector<32x16800xf32>
    %get3A_5 = arith.constant 0 : index
    %get3A_6 = arith.constant 0 : index
    %get3A_7 = vector.load %arg3[%get3A_5, %get3A_6] : memref<32x16800xf32, #tpu.memory_space<vmem>>, vector<32x16800xf32>
    %get3A_8 = arith.constant 0 : index
    %get3A_9 = arith.constant 0 : index
    %get3A_10 = vector.load %arg4[%get3A_8, %get3A_9] : memref<32x16800xf32, #tpu.memory_space<vmem>>, vector<32x16800xf32>
    %reduce_sum3A = arith.constant dense<0.000000e+00> : vector<32xf32>
    %reduce_sum3A_11 = vector.multi_reduction <add>, %get3A_4, %reduce_sum3A [1] : vector<32x16800xf32> to vector<32xf32>
    %broadcast_in_dim3A = vector.shape_cast %reduce_sum3A_11 : vector<32xf32> to vector<32x1xf32>
    %convert_element_type3A = arith.fptosi %broadcast_in_dim3A : vector<32x1xf32> to vector<32x1xi32>
    %mul3A = arith.constant 7 : i32
    %mul3A_12 = vector.broadcast %mul3A : i32 to vector<32x1xi32>
    %mul3A_13 = arith.muli %mul3A_12, %convert_element_type3A : vector<32x1xi32>
    %min3A = arith.constant 16799 : i32
    %min3A_14 = vector.broadcast %min3A : i32 to vector<32x1xi32>
    %min3A_15 = arith.minsi %mul3A_13, %min3A_14 : vector<32x1xi32>
    %convert_element_type3A_16 = arith.sitofp %min3A_15 : vector<32x1xi32> to vector<32x1xf32>
    %shift_right_arithmetic3A = arith.constant 16 : i32
    %shift_right_arithmetic3A_17 = vector.broadcast %shift_right_arithmetic3A : i32 to vector<32x16800xi32>
    %shift_right_arithmetic3A_18 = arith.shrsi %get3A_1, %shift_right_arithmetic3A_17 : vector<32x16800xi32>
    %and3A = arith.constant 65535 : i32
    %and3A_19 = vector.broadcast %and3A : i32 to vector<32x16800xi32>
    %and3A_20 = arith.andi %get3A_1, %and3A_19 : vector<32x16800xi32>
    %broadcast_in_dim3A_21 = arith.constant -32768 : i32
    %broadcast_in_dim3A_22 = vector.broadcast %broadcast_in_dim3A_21 : i32 to vector<32x1xi32>
    %broadcast_in_dim3A_23 = arith.constant 32768 : i32
    %broadcast_in_dim3A_24 = vector.broadcast %broadcast_in_dim3A_23 : i32 to vector<32x1xi32>
    %scan3A = arith.constant 0 : i32
    %scan3A_25 = arith.constant 16 : i32
    %scan3A_26 = arith.addi %scan3A, %scan3A_25 : i32
    %scan3A_27 = arith.constant 1 : i32
    %scan3A_28:2 = scf.for %scan3A_176 = %scan3A to %scan3A_26 step %scan3A_27 iter_args(%scan3A_177 = %broadcast_in_dim3A_22, %scan3A_178 = %broadcast_in_dim3A_24) -> (vector<32x1xi32>, vector<32x1xi32>)  : i32 {
      %add3A_179 = arith.addi %scan3A_177, %scan3A_178 : vector<32x1xi32>
      %shift_right_arithmetic3A_180 = arith.constant 1 : i32
      %shift_right_arithmetic3A_181 = vector.broadcast %shift_right_arithmetic3A_180 : i32 to vector<32x1xi32>
      %shift_right_arithmetic3A_182 = arith.shrsi %add3A_179, %shift_right_arithmetic3A_181 : vector<32x1xi32>
      %ge3A = vector.broadcast %shift_right_arithmetic3A_182 : vector<32x1xi32> to vector<32x16800xi32>
      %ge3A_183 = arith.cmpi sge, %shift_right_arithmetic3A_18, %ge3A : vector<32x16800xi32>
      %convert_element_type3A_184 = arith.extui %ge3A_183 : vector<32x16800xi1> to vector<32x16800xi32>
      %convert_element_type3A_185 = arith.sitofp %convert_element_type3A_184 : vector<32x16800xi32> to vector<32x16800xf32>
      %reduce_sum3A_186 = arith.constant dense<0.000000e+00> : vector<32xf32>
      %reduce_sum3A_187 = vector.multi_reduction <add>, %convert_element_type3A_185, %reduce_sum3A_186 [1] : vector<32x16800xf32> to vector<32xf32>
      %broadcast_in_dim3A_188 = vector.shape_cast %reduce_sum3A_187 : vector<32xf32> to vector<32x1xf32>
      %ge3A_189 = arith.cmpf oge, %broadcast_in_dim3A_188, %convert_element_type3A_16 : vector<32x1xf32>
      %select_n3A_190 = arith.select %ge3A_189, %shift_right_arithmetic3A_182, %scan3A_177 : vector<32x1xi1>, vector<32x1xi32>
      %select_n3A_191 = arith.select %ge3A_189, %scan3A_178, %shift_right_arithmetic3A_182 : vector<32x1xi1>, vector<32x1xi32>
      scf.yield %select_n3A_190, %select_n3A_191 : vector<32x1xi32>, vector<32x1xi32>
    }
    %gt3A = vector.broadcast %scan3A_28#0 : vector<32x1xi32> to vector<32x16800xi32>
    %gt3A_29 = arith.cmpi sgt, %shift_right_arithmetic3A_18, %gt3A : vector<32x16800xi32>
    %eq3A = vector.broadcast %scan3A_28#0 : vector<32x1xi32> to vector<32x16800xi32>
    %eq3A_30 = arith.cmpi eq, %shift_right_arithmetic3A_18, %eq3A : vector<32x16800xi32>
    %convert_element_type3A_31 = arith.extui %gt3A_29 : vector<32x16800xi1> to vector<32x16800xi32>
    %convert_element_type3A_32 = arith.sitofp %convert_element_type3A_31 : vector<32x16800xi32> to vector<32x16800xf32>
    %reduce_sum3A_33 = arith.constant dense<0.000000e+00> : vector<32xf32>
    %reduce_sum3A_34 = vector.multi_reduction <add>, %convert_element_type3A_32, %reduce_sum3A_33 [1] : vector<32x16800xf32> to vector<32xf32>
    %broadcast_in_dim3A_35 = vector.shape_cast %reduce_sum3A_34 : vector<32xf32> to vector<32x1xf32>
    %sub3A = arith.subf %convert_element_type3A_16, %broadcast_in_dim3A_35 : vector<32x1xf32>
    %jit3A = arith.constant -1 : i32
    %broadcast_in_dim3A_36 = vector.broadcast %jit3A : i32 to vector<32x16800xi32>
    %select_n3A = arith.select %eq3A_30, %and3A_20, %broadcast_in_dim3A_36 : vector<32x16800xi1>, vector<32x16800xi32>
    %broadcast_in_dim3A_37 = arith.constant 0 : i32
    %broadcast_in_dim3A_38 = vector.broadcast %broadcast_in_dim3A_37 : i32 to vector<32x1xi32>
    %broadcast_in_dim3A_39 = arith.constant 65536 : i32
    %broadcast_in_dim3A_40 = vector.broadcast %broadcast_in_dim3A_39 : i32 to vector<32x1xi32>
    %scan3A_41 = arith.constant 0 : i32
    %scan3A_42 = arith.constant 16 : i32
    %scan3A_43 = arith.addi %scan3A_41, %scan3A_42 : i32
    %scan3A_44 = arith.constant 1 : i32
    %scan3A_45:2 = scf.for %scan3A_176 = %scan3A_41 to %scan3A_43 step %scan3A_44 iter_args(%scan3A_177 = %broadcast_in_dim3A_38, %scan3A_178 = %broadcast_in_dim3A_40) -> (vector<32x1xi32>, vector<32x1xi32>)  : i32 {
      %add3A_179 = arith.addi %scan3A_177, %scan3A_178 : vector<32x1xi32>
      %shift_right_arithmetic3A_180 = arith.constant 1 : i32
      %shift_right_arithmetic3A_181 = vector.broadcast %shift_right_arithmetic3A_180 : i32 to vector<32x1xi32>
      %shift_right_arithmetic3A_182 = arith.shrsi %add3A_179, %shift_right_arithmetic3A_181 : vector<32x1xi32>
      %ge3A = vector.broadcast %shift_right_arithmetic3A_182 : vector<32x1xi32> to vector<32x16800xi32>
      %ge3A_183 = arith.cmpi sge, %select_n3A, %ge3A : vector<32x16800xi32>
      %convert_element_type3A_184 = arith.extui %ge3A_183 : vector<32x16800xi1> to vector<32x16800xi32>
      %convert_element_type3A_185 = arith.sitofp %convert_element_type3A_184 : vector<32x16800xi32> to vector<32x16800xf32>
      %reduce_sum3A_186 = arith.constant dense<0.000000e+00> : vector<32xf32>
      %reduce_sum3A_187 = vector.multi_reduction <add>, %convert_element_type3A_185, %reduce_sum3A_186 [1] : vector<32x16800xf32> to vector<32xf32>
      %broadcast_in_dim3A_188 = vector.shape_cast %reduce_sum3A_187 : vector<32xf32> to vector<32x1xf32>
      %ge3A_189 = arith.cmpf oge, %broadcast_in_dim3A_188, %sub3A : vector<32x1xf32>
      %select_n3A_190 = arith.select %ge3A_189, %shift_right_arithmetic3A_182, %scan3A_177 : vector<32x1xi1>, vector<32x1xi32>
      %select_n3A_191 = arith.select %ge3A_189, %scan3A_178, %shift_right_arithmetic3A_182 : vector<32x1xi1>, vector<32x1xi32>
      scf.yield %select_n3A_190, %select_n3A_191 : vector<32x1xi32>, vector<32x1xi32>
    }
    %gt3A_46 = vector.broadcast %scan3A_45#0 : vector<32x1xi32> to vector<32x16800xi32>
    %gt3A_47 = arith.cmpi sgt, %and3A_20, %gt3A_46 : vector<32x16800xi32>
    %and3A_48 = arith.andi %eq3A_30, %gt3A_47 : vector<32x16800xi1>
    %or3A = arith.ori %gt3A_29, %and3A_48 : vector<32x16800xi1>
    %eq3A_49 = vector.broadcast %scan3A_45#0 : vector<32x1xi32> to vector<32x16800xi32>
    %eq3A_50 = arith.cmpi eq, %and3A_20, %eq3A_49 : vector<32x16800xi32>
    %and3A_51 = arith.andi %eq3A_30, %eq3A_50 : vector<32x16800xi1>
    %convert_element_type3A_52 = arith.extui %or3A : vector<32x16800xi1> to vector<32x16800xi32>
    %convert_element_type3A_53 = arith.sitofp %convert_element_type3A_52 : vector<32x16800xi32> to vector<32x16800xf32>
    %reduce_sum3A_54 = arith.constant dense<0.000000e+00> : vector<32xf32>
    %reduce_sum3A_55 = vector.multi_reduction <add>, %convert_element_type3A_53, %reduce_sum3A_54 [1] : vector<32x16800xf32> to vector<32xf32>
    %broadcast_in_dim3A_56 = vector.shape_cast %reduce_sum3A_55 : vector<32xf32> to vector<32x1xf32>
    %sub3A_57 = arith.subf %convert_element_type3A_16, %broadcast_in_dim3A_56 : vector<32x1xf32>
    %iota3A = tpu.iota {dimensions = array<i32: 1>} : vector<1x16800xi32>
    %broadcast_in_dim3A_58 = arith.constant -1 : i32
    %broadcast_in_dim3A_59 = vector.broadcast %broadcast_in_dim3A_58 : i32 to vector<32x1xi32>
    %broadcast_in_dim3A_60 = arith.constant 16799 : i32
    %broadcast_in_dim3A_61 = vector.broadcast %broadcast_in_dim3A_60 : i32 to vector<32x1xi32>
    %scan3A_62 = arith.constant 0 : i32
    %scan3A_63 = arith.constant 15 : i32
    %scan3A_64 = arith.addi %scan3A_62, %scan3A_63 : i32
    %scan3A_65 = arith.constant 1 : i32
    %scan3A_66:2 = scf.for %scan3A_176 = %scan3A_62 to %scan3A_64 step %scan3A_65 iter_args(%scan3A_177 = %broadcast_in_dim3A_59, %scan3A_178 = %broadcast_in_dim3A_61) -> (vector<32x1xi32>, vector<32x1xi32>)  : i32 {
      %add3A_179 = arith.addi %scan3A_177, %scan3A_178 : vector<32x1xi32>
      %shift_right_arithmetic3A_180 = arith.constant 1 : i32
      %shift_right_arithmetic3A_181 = vector.broadcast %shift_right_arithmetic3A_180 : i32 to vector<32x1xi32>
      %shift_right_arithmetic3A_182 = arith.shrsi %add3A_179, %shift_right_arithmetic3A_181 : vector<32x1xi32>
      %le3A_183 = vector.broadcast %iota3A : vector<1x16800xi32> to vector<32x16800xi32>
      %le3A_184 = vector.broadcast %shift_right_arithmetic3A_182 : vector<32x1xi32> to vector<32x16800xi32>
      %le3A_185 = arith.cmpi sle, %le3A_183, %le3A_184 : vector<32x16800xi32>
      %and3A_186 = arith.andi %and3A_51, %le3A_185 : vector<32x16800xi1>
      %convert_element_type3A_187 = arith.extui %and3A_186 : vector<32x16800xi1> to vector<32x16800xi32>
      %convert_element_type3A_188 = arith.sitofp %convert_element_type3A_187 : vector<32x16800xi32> to vector<32x16800xf32>
      %reduce_sum3A_189 = arith.constant dense<0.000000e+00> : vector<32xf32>
      %reduce_sum3A_190 = vector.multi_reduction <add>, %convert_element_type3A_188, %reduce_sum3A_189 [1] : vector<32x16800xf32> to vector<32xf32>
      %broadcast_in_dim3A_191 = vector.shape_cast %reduce_sum3A_190 : vector<32xf32> to vector<32x1xf32>
      %ge3A = arith.cmpf oge, %broadcast_in_dim3A_191, %sub3A_57 : vector<32x1xf32>
      %select_n3A_192 = arith.select %ge3A, %scan3A_177, %shift_right_arithmetic3A_182 : vector<32x1xi1>, vector<32x1xi32>
      %select_n3A_193 = arith.select %ge3A, %shift_right_arithmetic3A_182, %scan3A_178 : vector<32x1xi1>, vector<32x1xi32>
      scf.yield %select_n3A_192, %select_n3A_193 : vector<32x1xi32>, vector<32x1xi32>
    }
    %le3A = vector.broadcast %iota3A : vector<1x16800xi32> to vector<32x16800xi32>
    %le3A_67 = vector.broadcast %scan3A_66#1 : vector<32x1xi32> to vector<32x16800xi32>
    %le3A_68 = arith.cmpi sle, %le3A, %le3A_67 : vector<32x16800xi32>
    %and3A_69 = arith.andi %and3A_51, %le3A_68 : vector<32x16800xi1>
    %or3A_70 = arith.ori %or3A, %and3A_69 : vector<32x16800xi1>
    %gt3A_71 = arith.constant 0.000000e+00 : f32
    %gt3A_72 = vector.broadcast %gt3A_71 : f32 to vector<32x16800xf32>
    %gt3A_73 = arith.cmpf ogt, %get3A_4, %gt3A_72 : vector<32x16800xf32>
    %or3A_74 = arith.ori %gt3A_73, %or3A_70 : vector<32x16800xi1>
    %sub3A_75 = arith.subf %get3A_10, %get3A_4 : vector<32x16800xf32>
    %abs3A = math.absf %sub3A_75 : vector<32x16800xf32>
    %lt3A = arith.constant 1.000000e+00 : f32
    %lt3A_76 = vector.broadcast %lt3A : f32 to vector<32x16800xf32>
    %lt3A_77 = arith.cmpf olt, %abs3A, %lt3A_76 : vector<32x16800xf32>
    %mul3A_78 = arith.constant 5.000000e-01 : f32
    %mul3A_79 = vector.broadcast %mul3A_78 : f32 to vector<32x16800xf32>
    %mul3A_80 = arith.mulf %mul3A_79, %sub3A_75 : vector<32x16800xf32>
    %mul3A_81 = arith.mulf %mul3A_80, %sub3A_75 : vector<32x16800xf32>
    %sub3A_82 = arith.constant 5.000000e-01 : f32
    %sub3A_83 = vector.broadcast %sub3A_82 : f32 to vector<32x16800xf32>
    %sub3A_84 = arith.subf %abs3A, %sub3A_83 : vector<32x16800xf32>
    %select_n3A_85 = arith.select %lt3A_77, %mul3A_81, %sub3A_84 : vector<32x16800xi1>, vector<32x16800xf32>
    %jit3A_86 = arith.constant 0.000000e+00 : f32
    %broadcast_in_dim3A_87 = vector.broadcast %jit3A_86 : f32 to vector<32x16800xf32>
    %select_n3A_88 = arith.select %or3A_74, %select_n3A_85, %broadcast_in_dim3A_87 : vector<32x16800xi1>, vector<32x16800xf32>
    %reduce_sum3A_89 = vector.shape_cast %select_n3A_88 : vector<32x16800xf32> to vector<1x32x16800xf32>
    %reduce_sum3A_90 = arith.constant dense<0.000000e+00> : vector<1xf32>
    %reduce_sum3A_91 = vector.multi_reduction <add>, %reduce_sum3A_89, %reduce_sum3A_90 [1, 2] : vector<1x32x16800xf32> to vector<1xf32>
    %reduce_sum3A_92 = vector.shape_cast %reduce_sum3A_91 : vector<1xf32> to vector<1x1x1xf32>
    %reduce_sum3A_93 = vector.extract %reduce_sum3A_92[0, 0, 0] : f32 from vector<1x1x1xf32>
    %get3A_94 = arith.constant 0 : index
    %get3A_95 = arith.constant 0 : index
    %get3A_96 = arith.constant 0 : index
    %get3A_97 = vector.load %arg5[%get3A_94, %get3A_95, %get3A_96] : memref<32x3x16800xf32, #tpu.memory_space<vmem>>, vector<32x1x16800xf32>
    %get3A_98 = vector.shape_cast %get3A_97 : vector<32x1x16800xf32> to vector<32x16800xf32>
    %get3A_99 = arith.constant 0 : index
    %get3A_100 = arith.constant 1 : index
    %get3A_101 = arith.constant 0 : index
    %get3A_102 = vector.load %arg5[%get3A_99, %get3A_100, %get3A_101] : memref<32x3x16800xf32, #tpu.memory_space<vmem>>, vector<32x1x16800xf32>
    %get3A_103 = vector.shape_cast %get3A_102 : vector<32x1x16800xf32> to vector<32x16800xf32>
    %get3A_104 = arith.constant 0 : index
    %get3A_105 = arith.constant 2 : index
    %get3A_106 = arith.constant 0 : index
    %get3A_107 = vector.load %arg5[%get3A_104, %get3A_105, %get3A_106] : memref<32x3x16800xf32, #tpu.memory_space<vmem>>, vector<32x1x16800xf32>
    %get3A_108 = vector.shape_cast %get3A_107 : vector<32x1x16800xf32> to vector<32x16800xf32>
    %max3A = arith.maximumf %get3A_98, %get3A_103 : vector<32x16800xf32>
    %max3A_109 = arith.maximumf %max3A, %get3A_108 : vector<32x16800xf32>
    %sub3A_110 = arith.subf %get3A_98, %max3A_109 : vector<32x16800xf32>
    %exp3A = math.exp %sub3A_110 : vector<32x16800xf32>
    %sub3A_111 = arith.subf %get3A_103, %max3A_109 : vector<32x16800xf32>
    %exp3A_112 = math.exp %sub3A_111 : vector<32x16800xf32>
    %add3A = arith.addf %exp3A, %exp3A_112 : vector<32x16800xf32>
    %sub3A_113 = arith.subf %get3A_108, %max3A_109 : vector<32x16800xf32>
    %exp3A_114 = math.exp %sub3A_113 : vector<32x16800xf32>
    %add3A_115 = arith.addf %add3A, %exp3A_114 : vector<32x16800xf32>
    %log3A = math.log %add3A_115 : vector<32x16800xf32>
    %add3A_116 = arith.addf %max3A_109, %log3A : vector<32x16800xf32>
    %convert_element_type3A_117 = arith.fptosi %get3A_7 : vector<32x16800xf32> to vector<32x16800xi32>
    %le3A_118 = arith.constant 0 : i32
    %le3A_119 = vector.broadcast %le3A_118 : i32 to vector<32x16800xi32>
    %le3A_120 = arith.cmpi sle, %convert_element_type3A_117, %le3A_119 : vector<32x16800xi32>
    %eq3A_121 = arith.constant 1 : i32
    %eq3A_122 = vector.broadcast %eq3A_121 : i32 to vector<32x16800xi32>
    %eq3A_123 = arith.cmpi eq, %convert_element_type3A_117, %eq3A_122 : vector<32x16800xi32>
    %select_n3A_124 = arith.select %eq3A_123, %get3A_103, %get3A_108 : vector<32x16800xi1>, vector<32x16800xf32>
    %select_n3A_125 = arith.select %le3A_120, %get3A_98, %select_n3A_124 : vector<32x16800xi1>, vector<32x16800xf32>
    %sub3A_126 = arith.subf %add3A_116, %select_n3A_125 : vector<32x16800xf32>
    %jit3A_127 = arith.constant 0.000000e+00 : f32
    %broadcast_in_dim3A_128 = vector.broadcast %jit3A_127 : f32 to vector<32x16800xf32>
    %select_n3A_129 = arith.select %or3A_74, %sub3A_126, %broadcast_in_dim3A_128 : vector<32x16800xi1>, vector<32x16800xf32>
    %reduce_sum3A_130 = vector.shape_cast %select_n3A_129 : vector<32x16800xf32> to vector<1x32x16800xf32>
    %reduce_sum3A_131 = arith.constant dense<0.000000e+00> : vector<1xf32>
    %reduce_sum3A_132 = vector.multi_reduction <add>, %reduce_sum3A_130, %reduce_sum3A_131 [1, 2] : vector<1x32x16800xf32> to vector<1xf32>
    %reduce_sum3A_133 = vector.shape_cast %reduce_sum3A_132 : vector<1xf32> to vector<1x1x1xf32>
    %reduce_sum3A_134 = vector.extract %reduce_sum3A_133[0, 0, 0] : f32 from vector<1x1x1xf32>
    %get3A_135 = arith.constant 0 : index
    %get3A_136 = arith.constant 0 : index
    %get3A_137 = vector.load %arg6[%get3A_135, %get3A_136] : memref<32x128xf32, #tpu.memory_space<vmem>>, vector<32x128xf32>
    %slice3A = vector.extract_strided_slice %get3A_137 {offsets = [0, 0], sizes = [32, 1], strides = [1, 1]} : vector<32x128xf32> to vector<32x1xf32>
    %reduce_sum3A_138 = vector.shape_cast %slice3A : vector<32x1xf32> to vector<1x32x1xf32>
    %reduce_sum3A_139 = arith.constant dense<0.000000e+00> : vector<1xf32>
    %reduce_sum3A_140 = vector.multi_reduction <add>, %reduce_sum3A_138, %reduce_sum3A_139 [1, 2] : vector<1x32x1xf32> to vector<1xf32>
    %reduce_sum3A_141 = vector.shape_cast %reduce_sum3A_140 : vector<1xf32> to vector<1x1x1xf32>
    %reduce_sum3A_142 = vector.extract %reduce_sum3A_141[0, 0, 0] : f32 from vector<1x1x1xf32>
    %slice3A_143 = vector.extract_strided_slice %get3A_137 {offsets = [0, 1], sizes = [32, 1], strides = [1, 1]} : vector<32x128xf32> to vector<32x1xf32>
    %reduce_sum3A_144 = vector.shape_cast %slice3A_143 : vector<32x1xf32> to vector<1x32x1xf32>
    %reduce_sum3A_145 = arith.constant dense<0.000000e+00> : vector<1xf32>
    %reduce_sum3A_146 = vector.multi_reduction <add>, %reduce_sum3A_144, %reduce_sum3A_145 [1, 2] : vector<1x32x1xf32> to vector<1xf32>
    %reduce_sum3A_147 = vector.shape_cast %reduce_sum3A_146 : vector<1xf32> to vector<1x1x1xf32>
    %reduce_sum3A_148 = vector.extract %reduce_sum3A_147[0, 0, 0] : f32 from vector<1x1x1xf32>
    %reduce_sum3A_149 = vector.shape_cast %broadcast_in_dim3A : vector<32x1xf32> to vector<1x32x1xf32>
    %reduce_sum3A_150 = arith.constant dense<0.000000e+00> : vector<1xf32>
    %reduce_sum3A_151 = vector.multi_reduction <add>, %reduce_sum3A_149, %reduce_sum3A_150 [1, 2] : vector<1x32x1xf32> to vector<1xf32>
    %reduce_sum3A_152 = vector.shape_cast %reduce_sum3A_151 : vector<1xf32> to vector<1x1x1xf32>
    %reduce_sum3A_153 = vector.extract %reduce_sum3A_152[0, 0, 0] : f32 from vector<1x1x1xf32>
    %max3A_154 = arith.constant 1.000000e+00 : f32
    %max3A_155 = arith.maximumf %reduce_sum3A_153, %max3A_154 : f32
    %iota3A_156 = tpu.iota {dimensions = array<i32: 1>} : vector<1x128xi32>
    %eq3A_157 = arith.constant 0 : i32
    %eq3A_158 = vector.broadcast %eq3A_157 : i32 to vector<1x128xi32>
    %eq3A_159 = arith.cmpi eq, %iota3A_156, %eq3A_158 : vector<1x128xi32>
    %eq3A_160 = arith.constant 1 : i32
    %eq3A_161 = vector.broadcast %eq3A_160 : i32 to vector<1x128xi32>
    %eq3A_162 = arith.cmpi eq, %iota3A_156, %eq3A_161 : vector<1x128xi32>
    %eq3A_163 = arith.constant 2 : i32
    %eq3A_164 = vector.broadcast %eq3A_163 : i32 to vector<1x128xi32>
    %eq3A_165 = arith.cmpi eq, %iota3A_156, %eq3A_164 : vector<1x128xi32>
    %broadcast_in_dim3A_166 = vector.broadcast %reduce_sum3A_148 : f32 to vector<1x128xf32>
    %broadcast_in_dim3A_167 = vector.broadcast %reduce_sum3A_134 : f32 to vector<1x128xf32>
    %select_n3A_168 = arith.select %eq3A_165, %broadcast_in_dim3A_166, %broadcast_in_dim3A_167 : vector<1x128xi1>, vector<1x128xf32>
    %broadcast_in_dim3A_169 = vector.broadcast %reduce_sum3A_93 : f32 to vector<1x128xf32>
    %select_n3A_170 = arith.select %eq3A_162, %broadcast_in_dim3A_169, %select_n3A_168 : vector<1x128xi1>, vector<1x128xf32>
    %broadcast_in_dim3A_171 = vector.broadcast %reduce_sum3A_142 : f32 to vector<1x128xf32>
    %select_n3A_172 = arith.select %eq3A_159, %broadcast_in_dim3A_171, %select_n3A_170 : vector<1x128xi1>, vector<1x128xf32>
    %div3A = vector.broadcast %max3A_155 : f32 to vector<1x128xf32>
    %div3A_173 = arith.divf %select_n3A_172, %div3A : vector<1x128xf32>
    %swap3A = arith.constant 0 : index
    %swap3A_174 = arith.constant 0 : index
    %swap3A_175 = vector.load %arg7[%swap3A, %swap3A_174] : memref<1x128xf32, #tpu.memory_space<vmem>>, vector<1x128xf32>
    tpu.vector_store %arg7[%swap3A, %swap3A_174], %div3A_173 {strides = array<i32>} : memref<1x128xf32, #tpu.memory_space<vmem>>, vector<1x128xf32>,
    return
  }
  func.func @transform_0(%arg0: i32) -> (i32, i32) {
    %c0_i32 = arith.constant 0 : i32
    %c0_i32_0 = arith.constant 0 : i32
    %c0_i32_1 = arith.constant 0 : i32
    return %c0_i32, %c0_i32_0 : i32, i32
  }
  func.func @transform_1(%arg0: i32) -> (i32, i32) {
    %c0_i32 = arith.constant 0 : i32
    %c0_i32_0 = arith.constant 0 : i32
    %c0_i32_1 = arith.constant 0 : i32
    return %c0_i32, %c0_i32_0 : i32, i32
  }
  func.func @transform_2(%arg0: i32) -> (i32, i32) {
    %c0_i32 = arith.constant 0 : i32
    %c0_i32_0 = arith.constant 0 : i32
    %c0_i32_1 = arith.constant 0 : i32
    return %c0_i32, %c0_i32_0 : i32, i32
  }
  func.func @transform_3(%arg0: i32) -> (i32, i32) {
    %c0_i32 = arith.constant 0 : i32
    %c0_i32_0 = arith.constant 0 : i32
    %c0_i32_1 = arith.constant 0 : i32
    return %c0_i32, %c0_i32_0 : i32, i32
  }
  func.func @transform_4(%arg0: i32) -> (i32, i32, i32) {
    %c0_i32 = arith.constant 0 : i32
    %c0_i32_0 = arith.constant 0 : i32
    %c0_i32_1 = arith.constant 0 : i32
    %c0_i32_2 = arith.constant 0 : i32
    return %c0_i32, %c0_i32_0, %c0_i32_1 : i32, i32, i32
  }
  func.func @transform_5(%arg0: i32) -> (i32, i32) {
    %c0_i32 = arith.constant 0 : i32
    %c0_i32_0 = arith.constant 0 : i32
    %c0_i32_1 = arith.constant 0 : i32
    return %c0_i32, %c0_i32_0 : i32, i32
  }
  func.func @transform_6(%arg0: i32) -> (i32, i32) {
    %c0_i32 = arith.constant 0 : i32
    %c0_i32_0 = arith.constant 0 : i32
    %c0_i32_1 = arith.constant 0 : i32
    return %c0_i32, %c0_i32_0 : i32, i32
  }
}

</mosaic_0001>

<sc_bundles>
// kernel: sparse-core-data-format-call.cloned.1.call-start
scs
called_computation_lowered:
.L_overlay_start_0:
0x0: {  	s1 =	sld [smem:$0x3FD9]  }
0x1: {  	s2 =	sld [smem:$0x3FFE];
	_ =	sdelay $0x1  }
0x2: {  	s3 =	srdreg.scid  }
0x3: {  	s0 =	sand.u32 $0x1, s3  }
0x4: {  	s17 =	sshll.u32 s0, $0xA;
	s1 =	sadd.s32 s2, s1  }
0x5: {  	s1 =	sadd.s32 s1, s17  }
0x6: {  	[smem:$0x3FC2] =	sst s1  }
0x7: {  	_ = 	snop  }
0x8: {  	(tm) =	ssettm $0x1  }
0x9: {  	s18 =	sld [smem:$0x3FFB];
	_ =	sdelay $0x3  }
0xa: {  	_ =	strace s18  }
0xb: {  	s1 =	sld [smem:$0x3FFC];
	_ =	sdelay $0x3  }
0xc: {  	_ =	strace s1  }
0xd: {  	s1 =	sld [smem:$0x3FFD];
	_ =	sdelay $0x3  }
0xe: {  	_ =	strace s1  }
0xf: {  	_ =	strace $0x8FFFFFFF  }
0x10: {  	s19 =	sld [smem:$0x3FDB];
	_ =	sdelay $0x1  }
0x11: {  	s20 =	simm.s32 $_scs_section_size  }
0x12: {  	s4 =	simm.s32 $_size__tile_overlayer_lowered;
	s5 =	simm.s32 $_tile_overlayer_lowered  }
0x13: {  	s23 =	simm.s32 $0x1BFF;
	s22 =	sshll.u32 s5, $0x1;
	s1 =	sadd.s32 s20, s19  }
0x14: {  	s6 =	simm.s32 $0x0;
	s21 =	sshll.u32 s4, $0x1;
	s4 =	sadd.s32 s22, s1  }
0x15: {  	[timem:s6], [sflag:s23] =	dma.local [hbm:s4], s21  }
0x16: {  	_ =	swait.ge [sflag:s23], s21  }
0x17: {  	s2 =	ssub.s32 $0x0, s21;
	[sflag:s23] =	ssyncset.done $0x0  }
0x18: {  	[sflag:s23] =	ssyncadd.s32 s2;
	_ =	sdelay $0x1  }
0x19: {  	s24 =	simm.s32 $0x1B8B  }
0x1a: {  	_ =	swait.ge [sflag:s24], $0x1  }
0x1b: {  	[sflag:s24] =	ssyncset.done $0x0  }
0x1c: {  	s26 =	simm.s32 $0x1B8E;
	s25 =	sld [smem:$0x3FFE];
	[sflag:s24] =	ssyncadd.s32 $0xFFFFFFFF  }
0x1d: {  	s27 =	simm.s32 $execute0_lowered;
	[smem:$0x3FD2] =	sst s26  }
0x1e: {  	s4 =	sshll.u32 s27, $0x1;
	_ =	strace $0x80000046;
	[dreg:$0x1] =	wrdreg $0xFFFFFFFF  }
0x1f: {  	s28 =	simm.s32 $_size_execute0_lowered;
	s1 =	sadd.s32 s1, s4;
	[dreg:$0x0] =	wrdreg $0x0  }
0x20: {  	s4 =	sshll.u32 s28, $0x1;
	[dreg:$0x2] =	wrdreg s1  }
0x21: {  	[dreg:$0x3] =	wrdreg s4  }
0x22: {  	[dreg:$0x4] =	wrdreg $0xC0  }
0x23: {  	_ =	task [dreg:s6], $0x5FFFF  }
0x24: {  	[dreg:$0x1] =	wrdreg $0xFFFFFFFF  }
0x25: {  	[dreg:$0x0] =	wrdreg $0x60  }
0x26: {  	[dreg:$0x2] =	wrdreg s25  }
0x27: {  	[dreg:$0x3] =	wrdreg $0x9  }
0x28: {  	_ =	task.clear_ibuf [dreg:s6], $0x4FFFF;
	_ =	strace $0x90000046  }
0x29: {  	s29 =	simm.s32 $0x9;
	_ =	strace $0x80000048  }
0x2a: {  	_ =	swait.ge [sflag:s29], $0x1  }
0x2b: {  	[sflag:s29] =	ssyncadd.s32 $0xFFFFFFFF  }
0x2c: {  	_ =	strace $0x90000048  }
0x2d: {  	_ =	sfence  }
0x2e: {  	s30 =	sld [smem:$0x0];
	_ =	sdelay $0x2  }
0x2f: {  	s31 =	sshll.u32 s3, $0xD;
	s3 =	sshrl.u32 s3, $0x2  }
0x30: {  	s2 =	sand.u32 $0x4000, s31;
	s1 =	sadd.s32 s3, s30  }
0x31: {  	s0 =	sor.u32 s2, s0;
	s1 =	sshll.u32 s1, $0x11  }
0x32: {  	s0 =	sor.u32 s1, s0  }
0x33: {  	s0 =	sadd.s32 $0x8F2B, s0  }
0x34: {  	[sflag:s0] =	ssyncadd.remote.s32 $0x1  }
0x35: {  	_ =	sfence.sel $0xFFFF  }
0x36: {  	[dreg:$0x0] =	wrdreg $0xFFFFFFFF;
	(pc) =	sbr.abs _section_cstart, $3  }
0x37: {  	[dreg:$0x1] =	wrdreg $0xFFFFFFFF  }
0x38: {  	_ =	task.clear_ibuf [dreg:s6], $0x2FFFF;
	_ =	strace $0x9FFFFFFF  }
0x39: {  	(tm) =	ssettm $0x7FFFFFFF  }
tec
execute0_lowered:
.L_overlay_start_1:
0x0: {  	(tag) =	ssettag $0x1  }
0x1: {  	s1 =	srdreg.scid  }
0x2: {  	s0 =	stileid.u32;
	s7 =	rddreg [dreg:$0x0]  }
0x3: {  	s31 =	simm.s32 $0x2;
	s16 =	simm.s32 $0x0;
	s10 =	simm.s32 $0x52800  }
0x4: {  	s15 =	simm.s32 $0x0;
	s17 =	simm.s32 $0x0;
	s1 =	sshll.u32 s1, $0x4  }
0x5: {  	s11 =	simm.s32 $0x0;
	s3 =	sshll.u32 s0, $0x3;
	s1 =	sor.u32 s0, s1  }
0x6: {  	s14 =	simm.s32 $0x0;
	s3 =	sand.u32 $0x38, s3;
	s2 =	sand.u32 $0x18, s1  }
0x7: {  	s1 =	rddreg [dreg:$0x1];
	_ =	strace $0x80000047;
	s4 =	ssub.s32 $0x20, s2  }
0x8: {  	s6 =	ssub.s32 $0x24, s3;
	s13 =	smov.u32 s3;
	s5 =	sand.u32 $0x18, s4  }
0x9: {  	p1 =	sgt.s32 s6, $0x0;
	p0 =	sne.s32 s5, $0x0;
	s5 =	simm.s32 $0x1  }
0xa: {  	s12 =	smov.u32 s2;
	s8 =	sshrl.u32 s4, $0x5;
	s5 =	simm.s32 @!p0 $0x0  }
.Ltmp0:
0xb: {  	s6 =	simm.s32 @!p1 $0x0;
	s8 =	sadd.s32 s5, s8;
	(pc) =	sbr.rel .LBB1_1-.Ltmp0, $4  }
0xc: {  	s4 =	sadd.s32 $0xC00, s7;
	s9 =	sand.u32 $0x3C, s6;
	s6 =	smul.u32 $0x21, s8  }
0xd: {  	s7 =	sadd.s32 $0x129C00, s7;
	p0 =	seq.s32 s9, $0x0;
	s5 =	simm.s32 $0x1  }
0xe: {  	s9 =	simm.s32 $0x42000;
	[sflag:s5] =	ssyncpa.u1 $0x0;
	s6 =	simm.s32 @p0 $0x0  }
0xf: {  	[sflag:s31] =	ssyncpa.u1 $0x0;
	p0 =	por $0x0, $0x0;
	s8 =	sadd.s32 $0x1, s6  }
.LBB1_11:
0x10: {  	s18 =	sadd.s32 $0x200, s11  }
0x11: {  	s15 =	sadd.s32 $0x20, s12;
	s19 =	smov.u32 s12;
	p2 =	sgt.s32 s18, $0x419F  }
0x12: {  	s19 =	smov.u32 @p2 s15  }
0x13: {  	s21 =	smov.u32 s13;
	s15 =	sadd.s32 $0x40, s13;
	p3 =	sgt.s32 s19, $0x1F  }
0x14: {  	s21 =	smov.u32 @p3 s15  }
0x15: {  	s18 =	simm.s32 @p2 $0x0;
	p2 =	sgt.s32 s21, $0x23  }
0x16: {  	p1 =	slt.u32 s14, $0x2;
	s21 =	smov.u32 @p2 s3;
	p2 =	sne.s32 s14, s8  }
.Ltmp1:
0x17: {  	s20 =	simm.s32 @!p1 $0x2;
	(pc) =	sbr.rel @!p2 .LBB1_12-.Ltmp1, $4  }
0x18: {  	s16 =	smov.u32 s11;
	s17 =	smov.u32 s13;
	_ =	swait.ge @!p1 [sflag:s20], $0x4000  }
0x19: {  	p0 =	por !p0, !p0;
	[sflag:s20] =	ssyncset.done @!p1 $0x0;
	s11 =	smov.u32 s18  }
0x1a: {  	s19 =	smov.u32 @p3 s2;
	s15 =	smov.u32 s12;
	[sflag:s20] =	ssyncadd.s32 @!p1 $0xFFFFC000  }
0x1b: {  	s12 =	smov.u32 s19;
	s14 =	sadd.s32 $0x1, s14;
	s13 =	smov.u32 s21  }
.LBB1_1:
0x1c: {  	p1 =	sge.u32 s14, s6  }
.Ltmp2:
0x1d: {  	_ = 	snop;
	(pc) =	sbr.rel @p1 .LBB1_3-.Ltmp2, $1  }
0x1e: {  	_ =	sdelay $0x3  }
0x1f: {  	s18 =	sshrl.u32 s12, $0x3  }
0x20: {  	s19 =	sshll.u32 s11, $0x3;
	s20 =	sshll.u32 s12, $0x7;
	s21 =	sand.u32 $0x1, s12  }
0x21: {  	p1 =	sgt.s32 s13, $0x1C;
	s23 =	sshra.s32 s13, $0x1F;
	s31 =	smul.u32 $0x8400, s13  }
0x22: {  	p2 =	sgt.s32 s11, $0x4000;
	s26 =	sshra.s32 s11, $0x1F;
	s18 =	smul.u32 $0x21000, s18  }
0x23: {  	s19 =	sand.u32 $0xFFFFFC00, s19;
	s22 =	sand.u32 $0x300, s20;
	s20 =	sand.u32 s23, s13  }
0x24: {  	s23 =	sshra.s32 s12, $0x1F;
	s18 =	sadd.s32 s18, s19;
	s19 =	smov.u32 s13  }
0x25: {  	s18 =	sor.u32 s22, s18;
	s22 =	sshll.u32 s11, $0x1;
	s19 =	simm.s32 @!p1 $0x1C  }
0x26: {  	p1 =	sgt.s32 s12, $0x18;
	s19 =	ssub.s32 s19, s20;
	s20 =	smov.u32 s12  }
0x27: {  	s23 =	sand.u32 s23, s12;
	s22 =	sand.u32 $0xFE, s22;
	s20 =	simm.s32 @!p1 $0x18  }
0x28: {  	s21 =	sor.u32 s21, s22;
	s24 =	sadd.s32 $0xFFFFFFE4, s19;
	s19 =	ssub.s32 $0x24, s19  }
0x29: {  	s22 =	sand.u32 s26, s11;
	s20 =	ssub.s32 s20, s23;
	p1 =	sgt.s32 s24, $0x7  }
0x2a: {  	s23 =	smov.u32 s11;
	s21 =	sor.u32 s18, s21;
	s18 =	smulhi.u32 $0x3E0F83E1, s18  }
0x2b: {  	s25 =	sadd.s32 $0xFFFFFFE8, s20;
	s23 =	simm.s32 @!p2 $0x4000;
	s20 =	ssub.s32 $0x20, s20  }
0x2c: {  	s19 =	simm.s32 @p1 $0x0;
	s28 =	smulhi.u32 $0x3E0F83E1, s21;
	p2 =	sgt.s32 s25, $0x7  }
0x2d: {  	s22 =	ssub.s32 s23, s22;
	s18 =	sshrl.u32 s18, $0xC;
	s20 =	simm.s32 @p2 $0x0  }
0x2e: {  	s27 =	sadd.s32 $0xFFFFC000, s22;
	s29 =	sshrl.u32 s28, $0xC;
	s19 =	smul.u32 s19, s20  }
0x2f: {  	s18 =	sand.u32 $0x1F, s18;
	s20 =	ssub.s32 $0x4200, s22;
	s22 =	smul.u32 $0x4200, s29  }
0x30: {  	p1 =	sgt.s32 s27, $0x1FF;
	s18 =	smul.u32 $0x420, s18  }
0x31: {  	s30 =	sxor.u32 $0xFFFFFFFF, s14;
	s23 =	sadd.s32 s4, s31;
	s20 =	simm.s32 @p1 $0x0  }
0x32: {  	s19 =	smul.u32 s20, s19;
	s21 =	ssub.s32 s21, s22;
	s18 =	sadd.s32 s18, s23  }
0x33: {  	s20 =	sshll.u32 s30, $0xE;
	s22 =	sshrl.u32 s21, $0x4;
	s21 =	sshll.u32 s21, $0x11  }
0x34: {  	s20 =	sand.u32 $0x4000, s20;
	s19 =	sshrl.u32 s19, $0x1;
	s21 =	sand.u32 $0x1C0000, s21  }
0x35: {  	s18 =	sadd.s32 s22, s18;
	s19 =	sand.u32 $0x3FFFFFFF, s19;
	s21 =	sor.u32 $0x800, s21  }
0x36: {  	[tilespmem:s20], [sflag:$0x1] =	stream.strided.gather [hbm4b:s18+s21], s19, s9, s21, $0x38;
	[tilespmem:$0x10000] =	vst v63  }
.LBB1_3:
0x37: {  	s18 =	sadd.s32 $0xFFFFFFFF, s14  }
0x38: {  	p1 =	sge.u32 s18, s6  }
.Ltmp3:
0x39: {  	_ = 	snop;
	(pc) =	sbr.rel @p1 .LBB1_11-.Ltmp3, $1  }
0x3a: {  	_ =	sdelay $0x3  }
0x3b: {  	p1 =	sgt.s32 s17, $0x1C;
	s18 =	smov.u32 s17;
	s19 =	sshra.s32 s17, $0x1F  }
0x3c: {  	s18 =	simm.s32 @!p1 $0x1C;
	s19 =	sand.u32 s19, s17  }
0x3d: {  	s18 =	ssub.s32 s18, s19  }
0x3e: {  	p2 =	sgt.s32 s15, $0x18;
	s20 =	sshra.s32 s15, $0x1F;
	s19 =	sadd.s32 $0xFFFFFFE4, s18  }
0x3f: {  	s21 =	sshra.s32 s16, $0x1F;
	p1 =	sgt.s32 s19, $0x7;
	s19 =	smov.u32 s15  }
0x40: {  	s20 =	sand.u32 s20, s15;
	s21 =	sand.u32 s21, s16;
	s19 =	simm.s32 @!p2 $0x18  }
0x41: {  	p2 =	sgt.s32 s16, $0x4000;
	s19 =	ssub.s32 s19, s20;
	s20 =	smov.u32 s16  }
0x42: {  	s18 =	ssub.s32 $0x24, s18;
	s22 =	sadd.s32 $0xFFFFFFE8, s19;
	s20 =	simm.s32 @!p2 $0x4000  }
0x43: {  	s19 =	ssub.s32 $0x20, s19;
	p2 =	sgt.s32 s22, $0x7;
	s20 =	ssub.s32 s20, s21  }
0x44: {  	s18 =	simm.s32 @p1 $0x0;
	s19 =	simm.s32 @p2 $0x0;
	s21 =	sadd.s32 $0xFFFFC000, s20  }
0x45: {  	s18 =	smul.u32 s18, s19;
	p1 =	sgt.s32 s21, $0x1FF;
	s19 =	ssub.s32 $0x4200, s20  }
0x46: {  	s19 =	simm.s32 @p1 $0x0  }
0x47: {  	s18 =	smul.u32 s19, s18  }
0x48: {  	s31 =	sshll.u32 s14, $0xE;
	s22 =	simm.s32 $0x0;
	s20 =	simm.s32 $0x1  }
0x49: {  	s21 =	simm.s32 $0x0;
	s20 =	simm.s32 @!p0 $0x0;
	s18 =	sshrl.u32 s18, $0x1  }
0x4a: {  	p1 =	por $0x0, $0x0;
	s20 =	sshll.u32 s20, $0x10;
	s18 =	sand.u32 $0x3FFFFFFF, s18  }
0x4b: {  	s19 =	sshrl.u32 s20, $0x2;
	s20 =	sshrl.u32 s20, $0x2;
	_ =	swait.ge [sflag:s5], s18  }
0x4c: {  	s30 =	ssub.s32 $0x0, s18;
	s18 =	sand.u32 $0x4000, s31;
	[sflag:s5] =	ssyncset.done $0x0  }
0x4d: {  	s20 =	sadd.s32 $0x8870, s20;
	s18 =	sor.u32 $0x8000, s18;
	[sflag:s5] =	ssyncadd.s32 s30  }
.LBB1_5:
0x4e: {  	s23 =	simm.s32 $0x1  }
0x4f: {  	s24 =	sshll.u32 s21, $0x1;
	s23 =	simm.s32 @!p1 $0x0  }
0x50: {  	s24 =	sand.u32 $0xFFFFFC00, s24;
	s23 =	sshll.u32 s23, $0x9  }
0x51: {  	s23 =	sor.u32 s23, s24  }
0x52: {  	p2 =	por $0x0, $0x0;
	s23 =	sshrl.u32 s23, $0x2  }
0x53: {  	s25 =	simm.s32 $0x0;
	s24 =	simm.s32 $0x0;
	s23 =	sadd.s32 s23, s20  }
.LBB1_6:
0x54: {  	s26 =	simm.s32 $0x1  }
0x55: {  	s27 =	sshll.u32 s24, $0x2;
	s26 =	simm.s32 @!p2 $0x0  }
0x56: {  	s27 =	sand.u32 $0xFFFFFC00, s27;
	s26 =	sshll.u32 s26, $0x9  }
0x57: {  	s26 =	sor.u32 s26, s27  }
0x58: {  	s26 =	sshrl.u32 s26, $0x2  }
0x59: {  	s26 =	sadd.s32 s26, s19  }
0x5a: {  	v1 =	vmov s26;
	_ =	sdelay $0x3  }
0x5b: {  	s26 =	simm.s32 $0x0  }
0x5c: {  	v2 =	vld.idx.msk [tilespmem:v1+s26+$0x70 ss:$0x1], $0xffff  }
0x5d: {  	v3 =	vld.idx.msk [tilespmem:v1+s26+$0x870 ss:$0x1], $0xffff  }
0x5e: {  	v4 =	vld.idx.msk [tilespmem:v1+s26+$0x0 ss:$0x1], $0xffff  }
0x5f: {  	v5 =	vld.idx.msk [tilespmem:v1+s26+$0x800 ss:$0x1], $0xffff  }
0x60: {  	v6 =	vld.idx.msk [tilespmem:v1+s26+$0x10 ss:$0x1], $0xffff  }
0x61: {  	v7 =	vld.idx.msk [tilespmem:v1+s26+$0x810 ss:$0x1], $0xffff;
	_ =	sdelay $0x1  }
0x62: {  	v0 =	vmov s23;
	v9 =	vld.idx.msk [tilespmem:v1+s26+$0x20 ss:$0x1], $0xffff;
	v8 =	vunpack.i.l.s16.s32 v2  }
0x63: {  	v12 =	vld.idx.msk [tilespmem:v1+s26+$0x820 ss:$0x1], $0xffff;
	v10 =	vunpack.i.l.s16.s32 v3;
	v2 =	vunpack.i.u.s16.s32 v2;
	v3 =	vunpack.i.u.s16.s32 v3  }
0x64: {  	v13 =	vld.idx.msk [tilespmem:v1+s26+$0x30 ss:$0x1], $0xffff;
	v11 =	vunpack.i.u.s16.s32 v4;
	v14 =	vunpack.i.u.s16.s32 v5;
	v5 =	vunpack.i.l.s16.s32 v5  }
0x65: {  	v15 =	vld.idx.msk [tilespmem:v1+s26+$0x830 ss:$0x1], $0xffff;
	v16 =	vunpack.i.u.s16.s32 v6;
	v17 =	vunpack.i.l.s16.s32 v6;
	v18 =	vunpack.i.u.s16.s32 v7  }
0x66: {  	v7 =	vunpack.i.l.s16.s32 v7;
	v6 =	vld.idx.msk [tilespmem:v1+s26+$0x850 ss:$0x1], $0xffff;
	v8 =	vpack.i.b32.b16 v10, v8;
	v10 =	vunpack.i.l.s16.s32 v4  }
0x67: {  	v3 =	vpack.i.b32.b16 v3, v2;
	v2 =	vld.idx.msk [tilespmem:v1+s26+$0x40 ss:$0x1], $0xffff;
	v7 =	vpack.i.b32.b16 v7, v17;
	[tilespmem:v0+s26+$0xFFFFF800 ss:$0x1] =	vst.idx.msk $0xffff, v8  }
0x68: {  	v4 =	vld.idx.msk [tilespmem:v1+s26+$0x840 ss:$0x1], $0xffff;
	v16 =	vpack.i.b32.b16 v18, v16;
	v5 =	vpack.i.b32.b16 v5, v10;
	[tilespmem:v0+s26+$0xFFFFF7A0 ss:$0x1] =	vst.idx.msk $0xffff, v7  }
0x69: {  	v8 =	vunpack.i.u.s16.s32 v9;
	v10 =	vunpack.i.l.s16.s32 v9;
	v9 =	vunpack.i.u.s16.s32 v13;
	[tilespmem:v0+s26+$0x0 ss:$0x1] =	vst.idx.msk $0xffff, v3;
	v3 =	vld.idx.msk [tilespmem:v1+s26+$0x50 ss:$0x1], $0xffff  }
0x6a: {  	v13 =	vunpack.i.l.s16.s32 v13;
	v7 =	vld.idx.msk [tilespmem:v1+s26+$0x860 ss:$0x1], $0xffff;
	[tilespmem:v0+s26+$0xFFFFF790 ss:$0x1] =	vst.idx.msk $0xffff, v5;
	v5 =	vpack.i.b32.b16 v14, v11;
	v11 =	vunpack.i.u.s16.s32 v12  }
0x6b: {  	s28 =	simm.s32 $0x800;
	s27 =	simm.s32 $0x0;
	v14 =	vunpack.i.l.s16.s32 v12;
	v12 =	vunpack.i.u.s16.s32 v15;
	v15 =	vunpack.i.l.s16.s32 v15;
	[tilespmem:v0+s26+$0xFFFFFF90 ss:$0x1] =	vst.idx.msk $0xffff, v5;
	v5 =	vld.idx.msk [tilespmem:v1+s26+$0x60 ss:$0x1], $0xffff  }
.LBB1_7:
0x6c: {  	s29 =	sshra.s32 s28, $0x2;
	[tilespmem:v0+s26+$0xFFFFFFA0 ss:$0x1] =	vst.idx.msk $0xffff, v16;
	v10 =	vpack.i.b32.b16 v14, v10;
	v14 =	vunpack.i.u.s16.s32 v2;
	v2 =	vunpack.i.l.s16.s32 v2  }
0x6d: {  	v8 =	vpack.i.b32.b16 v11, v8;
	v16 =	vld.idx.msk [tilespmem:v1+s29+$0x70 ss:$0x1], $0xffff;
	[tilespmem:v0+s26+$0xFFFFF7B0 ss:$0x1] =	vst.idx.msk $0xffff, v10;
	v10 =	vunpack.i.u.s16.s32 v4;
	v4 =	vunpack.i.l.s16.s32 v4  }
0x6e: {  	s27 =	sadd.s32 $0x80, s27;
	v11 =	vld.idx.msk [tilespmem:v1+s29+$0x870 ss:$0x1], $0xffff;
	[tilespmem:v0+s26+$0xFFFFFFB0 ss:$0x1] =	vst.idx.msk $0xffff, v8;
	v8 =	vpack.i.b32.b16 v15, v13;
	v13 =	vunpack.i.u.s16.s32 v3;
	v3 =	vunpack.i.l.s16.s32 v3  }
0x6f: {  	p3 =	slt.u32 s27, $0x180;
	v15 =	vld.idx.msk [tilespmem:v1+s29+$0x0 ss:$0x1], $0xffff;
	[tilespmem:v0+s26+$0xFFFFF7C0 ss:$0x1] =	vst.idx.msk $0xffff, v8;
	v8 =	vpack.i.b32.b16 v12, v9;
	v9 =	vunpack.i.u.s16.s32 v6;
	v6 =	vunpack.i.l.s16.s32 v6  }
0x70: {  	v2 =	vpack.i.b32.b16 v4, v2;
	v4 =	vunpack.i.u.s16.s32 v5;
	v5 =	vunpack.i.l.s16.s32 v5;
	v12 =	vld.idx.msk [tilespmem:v1+s29+$0x800 ss:$0x1], $0xffff;
	[tilespmem:v0+s26+$0xFFFFFFC0 ss:$0x1] =	vst.idx.msk $0xffff, v8  }
0x71: {  	v8 =	vld.idx.msk [tilespmem:v1+s29+$0x10 ss:$0x1], $0xffff;
	[tilespmem:v0+s26+$0xFFFFF7D0 ss:$0x1] =	vst.idx.msk $0xffff, v2;
	v2 =	vpack.i.b32.b16 v10, v14;
	v10 =	vunpack.i.u.s16.s32 v7;
	v7 =	vunpack.i.l.s16.s32 v7  }
0x72: {  	v3 =	vpack.i.b32.b16 v6, v3;
	v6 =	vpack.i.b32.b16 v9, v13;
	v14 =	vld.idx.msk [tilespmem:v1+s29+$0x810 ss:$0x1], $0xffff;
	v5 =	vpack.i.b32.b16 v7, v5  }
0x73: {  	v9 =	vpack.i.b32.b16 v10, v4;
	v7 =	vld.idx.msk [tilespmem:v1+s29+$0x20 ss:$0x1], $0xffff;
	[tilespmem:v0+s26+$0xFFFFFFD0 ss:$0x1] =	vst.idx.msk $0xffff, v2  }
0x74: {  	v2 =	vunpack.i.l.s16.s32 v16;
	v4 =	vunpack.i.l.s16.s32 v11;
	v13 =	vld.idx.msk [tilespmem:v1+s29+$0x820 ss:$0x1], $0xffff;
	[tilespmem:v0+s26+$0xFFFFF7E0 ss:$0x1] =	vst.idx.msk $0xffff, v3  }
0x75: {  	v10 =	vunpack.i.u.s16.s32 v11;
	v3 =	vunpack.i.u.s16.s32 v16;
	v2 =	vpack.i.b32.b16 v4, v2;
	v17 =	vld.idx.msk [tilespmem:v1+s29+$0x30 ss:$0x1], $0xffff;
	[tilespmem:v0+s26+$0xFFFFFFE0 ss:$0x1] =	vst.idx.msk $0xffff, v6  }
0x76: {  	v11 =	vunpack.i.l.s16.s32 v15;
	v6 =	vunpack.i.u.s16.s32 v15;
	v3 =	vpack.i.b32.b16 v10, v3;
	v15 =	vld.idx.msk [tilespmem:v1+s29+$0x830 ss:$0x1], $0xffff;
	[tilespmem:v0+s29+$0xFFFFF800 ss:$0x1] =	vst.idx.msk $0xffff, v2  }
0x77: {  	v16 =	vunpack.i.u.s16.s32 v12;
	v10 =	vunpack.i.l.s16.s32 v12;
	v12 =	vunpack.i.u.s16.s32 v8;
	v2 =	vld.idx.msk [tilespmem:v1+s29+$0x40 ss:$0x1], $0xffff;
	[tilespmem:v0+s29+$0x0 ss:$0x1] =	vst.idx.msk $0xffff, v3  }
.Ltmp4:
0x78: {  	v18 =	vunpack.i.l.s16.s32 v8;
	v19 =	vunpack.i.u.s16.s32 v14;
	v20 =	vunpack.i.l.s16.s32 v14;
	v4 =	vld.idx.msk [tilespmem:v1+s29+$0x840 ss:$0x1], $0xffff;
	[tilespmem:v0+s26+$0xFFFFF7F0 ss:$0x1] =	vst.idx.msk $0xffff, v5;
	(pc) =	sbr.rel @p3 .LBB1_7-.Ltmp4, $4  }
0x79: {  	v5 =	vpack.i.b32.b16 v10, v11;
	v8 =	vunpack.i.u.s16.s32 v7;
	v10 =	vunpack.i.l.s16.s32 v7;
	v3 =	vld.idx.msk [tilespmem:v1+s29+$0x50 ss:$0x1], $0xffff;
	[tilespmem:v0+s26+$0xFFFFFFF0 ss:$0x1] =	vst.idx.msk $0xffff, v9;
	s26 =	smov.u32 s29  }
0x7a: {  	v11 =	vunpack.i.u.s16.s32 v13;
	v14 =	vunpack.i.l.s16.s32 v13;
	[tilespmem:v0+s26+$0xFFFFF790 ss:$0x1] =	vst.idx.msk $0xffff, v5;
	v5 =	vpack.i.b32.b16 v16, v6;
	v6 =	vld.idx.msk [tilespmem:v1+s26+$0x850 ss:$0x1], $0xffff  }
0x7b: {  	v7 =	vpack.i.b32.b16 v20, v18;
	v9 =	vunpack.i.u.s16.s32 v17;
	v13 =	vunpack.i.l.s16.s32 v17;
	[tilespmem:v0+s26+$0xFFFFFF90 ss:$0x1] =	vst.idx.msk $0xffff, v5;
	v5 =	vld.idx.msk [tilespmem:v1+s26+$0x60 ss:$0x1], $0xffff  }
0x7c: {  	s28 =	sadd.s32 $0x800, s28;
	v16 =	vpack.i.b32.b16 v19, v12;
	v12 =	vunpack.i.u.s16.s32 v15;
	v15 =	vunpack.i.l.s16.s32 v15;
	[tilespmem:v0+s26+$0xFFFFF7A0 ss:$0x1] =	vst.idx.msk $0xffff, v7;
	v7 =	vld.idx.msk [tilespmem:v1+s26+$0x860 ss:$0x1], $0xffff  }
0x7d: {  	_ =	sdelay $0x3  }
0x7e: {  	[tilespmem:v0+s26+$0xFFFFFFA0 ss:$0x1] =	vst.idx.msk $0xffff, v16;
	v1 =	vpack.i.b32.b16 v14, v10  }
0x7f: {  	v46 =	vpack.i.b32.b16 v15, v13;
	[tilespmem:v0+s26+$0xFFFFF7B0 ss:$0x1] =	vst.idx.msk $0xffff, v1  }
0x80: {  	v45 =	vpack.i.b32.b16 v11, v8;
	[tilespmem:v0+s26+$0xFFFFF7C0 ss:$0x1] =	vst.idx.msk $0xffff, v46  }
0x81: {  	v47 =	vunpack.i.l.s16.s32 v2;
	v48 =	vunpack.i.l.s16.s32 v4;
	v49 =	vpack.i.b32.b16 v12, v9;
	[tilespmem:v0+s26+$0xFFFFFFB0 ss:$0x1] =	vst.idx.msk $0xffff, v45  }
0x82: {  	v50 =	vunpack.i.u.s16.s32 v2;
	v51 =	vunpack.i.u.s16.s32 v4;
	v52 =	vpack.i.b32.b16 v48, v47;
	[tilespmem:v0+s26+$0xFFFFFFC0 ss:$0x1] =	vst.idx.msk $0xffff, v49  }
0x83: {  	p3 =	slt.u32 s25, $0x6;
	v53 =	vunpack.i.l.s16.s32 v3;
	v55 =	vpack.i.b32.b16 v51, v50;
	v54 =	vunpack.i.l.s16.s32 v6;
	[tilespmem:v0+s26+$0xFFFFF7D0 ss:$0x1] =	vst.idx.msk $0xffff, v52  }
.Ltmp5:
0x84: {  	v56 =	vunpack.i.u.s16.s32 v3;
	v57 =	vunpack.i.u.s16.s32 v6;
	v58 =	vpack.i.b32.b16 v54, v53;
	[tilespmem:v0+s26+$0xFFFFFFD0 ss:$0x1] =	vst.idx.msk $0xffff, v55;
	(pc) =	sbr.rel @p3 .LBB1_6-.Ltmp5, $4  }
0x85: {  	v59 =	vunpack.i.l.s16.s32 v5;
	v2 =	vpack.i.b32.b16 v57, v56;
	v60 =	vunpack.i.l.s16.s32 v7;
	[tilespmem:v0+s26+$0xFFFFF7E0 ss:$0x1] =	vst.idx.msk $0xffff, v58  }
0x86: {  	v61 =	vunpack.i.u.s16.s32 v5;
	v62 =	vunpack.i.u.s16.s32 v7;
	v1 =	vpack.i.b32.b16 v60, v59;
	[tilespmem:v0+s26+$0xFFFFFFE0 ss:$0x1] =	vst.idx.msk $0xffff, v2  }
0x87: {  	s25 =	sadd.s32 $0x2, s25;
	v63 =	vpack.i.b32.b16 v62, v61;
	[tilespmem:v0+s26+$0xFFFFF7F0 ss:$0x1] =	vst.idx.msk $0xffff, v1  }
0x88: {  	s23 =	sadd.s32 $0x1000, s23;
	s24 =	sadd.s32 $0x80, s24;
	p2 =	por !p2, !p2;
	[tilespmem:v0+s26+$0xFFFFFFF0 ss:$0x1] =	vst.idx.msk $0xffff, v63  }
0x89: {  	p2 =	slt.u32 s22, $0x6  }
.Ltmp6:
0x8a: {  	_ = 	snop;
	(pc) =	sbr.rel @p2 .LBB1_5-.Ltmp6, $3  }
0x8b: {  	_ =	sdelay $0x1  }
0x8c: {  	s23 =	sadd.s32 $0x2, s22;
	s21 =	sadd.s32 $0x100, s21  }
0x8d: {  	p1 =	por !p1, !p1;
	s19 =	sadd.s32 $0x1000, s19;
	s22 =	smov.u32 s23  }
0x8e: {  	s19 =	sshrl.u32 s17, $0x3  }
0x8f: {  	s20 =	sshll.u32 s16, $0x3;
	s19 =	smul.u32 $0x21000, s19  }
0x90: {  	s21 =	sshll.u32 s17, $0x7;
	s20 =	sand.u32 $0xFFFFFC00, s20  }
0x91: {  	s25 =	sand.u32 $0x300, s21;
	s19 =	sadd.s32 s19, s20  }
0x92: {  	s19 =	sor.u32 s25, s19  }
0x93: {  	s26 =	sshll.u32 s16, $0x1;
	s28 =	smulhi.u32 $0x3E0F83E1, s19  }
0x94: {  	s27 =	sand.u32 $0x1, s17;
	s16 =	sand.u32 $0xFE, s26  }
0x95: {  	s16 =	sor.u32 s27, s16;
	s17 =	sshrl.u32 s28, $0xC  }
0x96: {  	s16 =	sor.u32 s19, s16;
	s29 =	smulhi.u32 $0x6666667, s17  }
0x97: {  	s19 =	smulhi.u32 $0x3E0F83E1, s16  }
0x98: {  	s20 =	smul.u32 $0x28, s29  }
0x99: {  	s15 =	smul.u32 $0xA500, s15;
	s19 =	sshrl.u32 s19, $0xC  }
0x9a: {  	s19 =	smul.u32 $0x4200, s19;
	s17 =	ssub.s32 s17, s20  }
0x9b: {  	s17 =	smul.u32 $0x420, s17  }
.Ltmp7:
0x9c: {  	s16 =	ssub.s32 s16, s19;
	(pc) =	sbr.rel .LBB1_11-.Ltmp7, $4  }
0x9d: {  	s15 =	sadd.s32 s7, s15;
	s19 =	sshll.u32 s16, $0x11  }
0x9e: {  	s16 =	sshrl.u32 s16, $0x4;
	s30 =	sand.u32 $0x1C0000, s19;
	s15 =	sadd.s32 s17, s15  }
0x9f: {  	s31 =	sor.u32 $0x800, s30;
	s15 =	sadd.s32 s16, s15  }
0xa0: {  	[hbm4b:s15+s31] =	stream.strided.scatter [tilespmem:s18], [sflag:$0x2], $0x4000, s10, s31, $0x38;
	[tilespmem:$0x10000] =	vst v63  }
.LBB1_12:
0xa1: {  	_ =	sfence.sel $0x180000  }
0xa2: {  	s2 =	simm.s32 $0x1;
	[bflag:$0x0] =	sbarrier.arrive $0xFFFF  }
0xa3: {  	s31 =	simm.s32 $0x2;
	[sflag:s2] =	ssyncpa.u1 $0x1  }
0xa4: {  	[sflag:s31] =	ssyncpa.u1 $0x1  }
0xa5: {  	p0 =	sne.s32 s0, $0x0;
	_ =	strace $0x90000047  }
0xa6: {  	s0 =	sadd.s32 @!p0 $0x100000, s1;
	[bflag:$0x2] =	sbarrier.arrive $0xFFFF  }
0xa7: {  	[sflag:s0] =	ssyncadd.tile.s32 @!p0 $0x1;
	_ =	shalt  }
.Lfunc_end1:
_tile_overlayer_lowered:
.L_overlay_start_2:
0xa8: {  	(tag) =	ssettag $0x2  }
0xa9: {  	s0 =	rddreg [dreg:$0x0];
	s2 =	stileid.u32  }
0xaa: {  	s1 =	rddreg [dreg:$0x1];
	p0 =	sne.s32 s2, $0x0  }
0xab: {  	s3 =	rddreg [dreg:$0x2];
	[bflag:$0x3] =	sbarrier.arrive $0xFFFF;
	s2 =	simm.s32 @!p0 $0x1C01  }
0xac: {  	[timem:s3], [sflag:s2] =	dma.local @!p0 [hbm:s0], s1  }
0xad: {  	s0 =	simm.s32 @!p0 $0x1  }
0xae: {  	_ =	swait.ge @!p0 [sflag:s0], s1  }
0xaf: {  	s1 =	ssub.s32 @!p0 $0x0, s1;
	[sflag:s0] =	ssyncset.done @!p0 $0x0  }
0xb0: {  	[sflag:s0] =	ssyncadd.s32 @!p0 s1  }
0xb1: {  	[bflag:$0x3] =	sbarrier.arrive $0xFFFF  }
0xb2: {  	_ =	shalt  }

</sc_bundles>
